<compile_context>
chip_gen: v7x
topology: tpu7x:2x2x1
jax: 0.10.2.dev20260603
libtpu: 0.0.44.dev20260713+nightly
codegen_flags: <defaults>
</compile_context>

<pallas_src>
import functools

import jax
import jax.numpy as jnp
from jax import lax
from jax.experimental import pallas as pl
from jax.experimental.pallas import tpu as pltpu
from jax.experimental.pallas import tpu_sc as plsc

N = 10000
D = 256
G = 64
E = 160000

NC = 2
NS = 16
NW = NC * NS
L = 16

NPAD = 10240
SLICE = NPAD // NS
EW = E // NW

BLK_A = 1000


def _phase_a_body(x_ref, wrel_ref, wroot_ref, brel_ref, yrel_ref, xpart_ref):
    x = x_ref[:, :]
    yrel_ref[:, :] = jnp.sum(x * wrel_ref[:, :], axis=1, keepdims=True)
    xpart_ref[:, :] = (
        jnp.sum(x * wroot_ref[:, :], axis=1, keepdims=True) + brel_ref[0, 0]
    )


def _phase_a(x, w_rel, w_root, b_rel):
    grid = N // BLK_A
    return pl.pallas_call(
        _phase_a_body,
        grid=(grid,),
        in_specs=[
            pl.BlockSpec((BLK_A, D), lambda i: (i, 0)),
            pl.BlockSpec((1, D), lambda i: (0, 0)),
            pl.BlockSpec((1, D), lambda i: (0, 0)),
            pl.BlockSpec((1, 1), lambda i: (0, 0)),
        ],
        out_specs=(
            pl.BlockSpec((BLK_A, 1), lambda i: (i, 0)),
            pl.BlockSpec((BLK_A, 1), lambda i: (i, 0)),
        ),
        out_shape=(
            jax.ShapeDtypeStruct((N, 1), jnp.float32),
            jax.ShapeDtypeStruct((N, 1), jnp.float32),
        ),
    )(x, w_rel, w_root, b_rel.reshape(1, 1))


def _phase_b_body(y_hbm, src_hbm, dst_hbm, out_hbm,
                  src_v, dst_v, y_v, acc_v, tmp_v, red_v, accs_sh, sem):
    c = lax.axis_index("c")
    s = lax.axis_index("s")
    wid = s * NC + c
    base = wid * EW
    cp_src = pltpu.make_async_copy(
        src_hbm.at[pl.ds(base, EW)], src_v.at[pl.ds(0, EW)], sem)
    cp_dst = pltpu.make_async_copy(
        dst_hbm.at[pl.ds(base, EW)], dst_v.at[pl.ds(0, EW)], sem)
    cp_y = pltpu.make_async_copy(y_hbm, y_v, sem)
    cp_src.start()
    cp_dst.start()
    cp_y.start()

    zeros = jnp.zeros((L,), jnp.float32)

    ZU = 8

    def zero_body(i, carry):
        for u in range(ZU):
            acc_v[pl.ds(i * (ZU * L) + u * L, L)] = zeros
        return carry

    lax.fori_loop(0, NPAD // (ZU * L), zero_body, 0)

    cp_src.wait()
    cp_dst.wait()
    cp_y.wait()

    lanes = lax.iota(jnp.int32, L)
    tail = (EW // L) * L
    tmask = lanes < (EW - tail)
    src_v[pl.ds(tail, L)] = jnp.where(tmask, src_v[pl.ds(tail, L)], 0)
    dst_v[pl.ds(tail, L)] = jnp.where(tmask, dst_v[pl.ds(tail, L)], NPAD - 1)

    EU = 4
    NIT = pl.cdiv(EW, L)
    NFULL = NIT // EU

    def edge_body(i, carry):
        for u in range(EU):
            off = i * (EU * L) + u * L
            si = src_v[pl.ds(off, L)]
            di = dst_v[pl.ds(off, L)]
            y = plsc.load_gather(y_v, [si])
            plsc.addupdate_scatter(acc_v, [di], y)
        return carry

    lax.fori_loop(0, NFULL, edge_body, 0)

    for k in range(NFULL * EU, NIT):
        si = src_v[pl.ds(k * L, L)]
        di = dst_v[pl.ds(k * L, L)]
        y = plsc.load_gather(y_v, [si])
        plsc.addupdate_scatter(acc_v, [di], y)



    pltpu.sync_copy(acc_v, accs_sh.at[s])
    plsc.subcore_barrier()

    col = s * SLICE
    pltpu.sync_copy(accs_sh.at[:, pl.ds(col, SLICE)], tmp_v)

    def red_body(i, carry):
        acc = tmp_v[0, pl.ds(i * L, L)]
        for r in range(1, NS):
            acc = acc + tmp_v[r, pl.ds(i * L, L)]
        red_v[pl.ds(i * L, L)] = acc
        return carry

    lax.fori_loop(0, SLICE // L, red_body, 0)

    pltpu.sync_copy(red_v, out_hbm.at[c, pl.ds(col, SLICE)])


def _phase_b(y_rel_flat, src, dst):
    mesh = plsc.VectorSubcoreMesh(core_axis_name="c", subcore_axis_name="s")
    run = functools.partial(
        pl.kernel,
        mesh=mesh,
        compiler_params=pltpu.CompilerParams(needs_layout_passes=False),
        out_type=jax.ShapeDtypeStruct((NC, NPAD), jnp.float32),
        scratch_types=[
            pltpu.VMEM((EW + L,), jnp.int32),
            pltpu.VMEM((EW + L,), jnp.int32),
            pltpu.VMEM((N,), jnp.float32),
            pltpu.VMEM((NPAD,), jnp.float32),
            pltpu.VMEM((NS, SLICE), jnp.float32),
            pltpu.VMEM((SLICE,), jnp.float32),
            pltpu.VMEM_SHARED((NS, NPAD), jnp.float32),
            pltpu.SemaphoreType.DMA,
        ],
    )(_phase_b_body)
    return run(y_rel_flat, src, dst)


def _phase_c_body(p_ref, xpart_ref, batch_ref, x_hbm, out_ref, x_v, sem):
    cp = pltpu.make_async_copy(x_hbm, x_v, sem)
    cp.start()

    agg = p_ref[0:N, :] + p_ref[NPAD:NPAD + N, :]
    x_conv = agg + xpart_ref[:, :]
    b = batch_ref[:, :]
    g_iota = lax.broadcasted_iota(jnp.int32, (N, 128), 1)
    mask = b == g_iota
    xb = jnp.where(mask, x_conv, jnp.float32(-1e30))
    seg_max = jnp.max(xb, axis=0, keepdims=True)
    p = jnp.where(mask, jnp.exp(xb - seg_max), 0.0)
    denom = jnp.sum(p, axis=0, keepdims=True)
    a = p / (denom + 1e-16)

    cp.wait()
    gx = lax.dot_general(
        a, x_v[:, :], (((0,), (0,)), ((), ())),
        preferred_element_type=jnp.float32,
    )
    out_ref[:, :] = gx[0:G, :]


def _phase_c(partials, x_part, batch, x):
    return pl.pallas_call(
        _phase_c_body,
        in_specs=[
            pl.BlockSpec(memory_space=pltpu.VMEM),
            pl.BlockSpec(memory_space=pltpu.VMEM),
            pl.BlockSpec(memory_space=pltpu.VMEM),
            pl.BlockSpec(memory_space=pl.ANY),
        ],
        scratch_shapes=[
            pltpu.VMEM((N, D), jnp.float32),
            pltpu.SemaphoreType.DMA,
        ],
        out_shape=jax.ShapeDtypeStruct((G, D), jnp.float32),
    )(partials.reshape(NC * NPAD, 1), x_part, batch.reshape(N, 1), x)



@jax.jit
def kernel(x, edge_index, batch, W_rel, b_rel, W_root):
    y_rel, x_part = _phase_a(x, W_rel, W_root, b_rel)
    partials = _phase_b(y_rel.reshape(N), edge_index[0], edge_index[1])
    return _phase_c(partials, x_part, batch, x)

# --- scband reference (transcript-rebuilt; emitter-appended) ---
"""Pipeline reference for scband-global-attention-pool-17729624998554 (READ-ONLY COPY).

The authoritative reference and input builder live on the scoring server;
editing this copy changes nothing except your own understanding.
"""

import jax, jax.numpy as jnp
import numpy as np

N = 10000
E = 160000
D = 256
G = 64


def setup_inputs(seed: int = 0) -> dict:
    key = jax.random.key(seed)
    k1, k2, k3, k4, k5, k6 = jax.random.split(key, 6)
    x = jax.random.normal(k1, (N, D), dtype=jnp.float32)
    edge_index = jax.random.randint(k2, (2, E), 0, N, dtype=jnp.int32)
    batch = jnp.sort(jax.random.randint(k3, (N,), 0, G, dtype=jnp.int32))
    # GraphConv(hidden_dim=D, out_channels=1): lin_rel (with bias) applied to the
    # add-aggregated neighbor features, lin_root (no bias) applied to self features.
    W_rel = jax.random.normal(k4, (1, D), dtype=jnp.float32) * 0.05
    b_rel = jnp.zeros((1,), dtype=jnp.float32)
    W_root = jax.random.normal(k5, (1, D), dtype=jnp.float32) * 0.05
    return {"x": x, "edge_index": edge_index, "batch": batch,
            "W_rel": W_rel, "b_rel": b_rel, "W_root": W_root}


def reference(x, edge_index, batch, W_rel, b_rel, W_root):
    src = edge_index[0]
    dst = edge_index[1]
    # GraphConv: out[i] = lin_rel(sum_{j in N(i)} x[j]) + lin_root(x[i])
    agg = jax.ops.segment_sum(x[src], dst, num_segments=N)
    x_conv = agg @ W_rel.T + b_rel + x @ W_root.T  # [N, 1]
    # segment softmax over nodes grouped by batch (PyG softmax with max-shift)
    seg_max = jax.ops.segment_max(x_conv, batch, num_segments=G)
    shifted = x_conv - seg_max[batch]
    ex = jnp.exp(shifted)
    denom = jax.ops.segment_sum(ex, batch, num_segments=G)
    scores = ex / (denom[batch] + 1e-16)
    # global_add_pool(x * scores, batch)
    gx = jax.ops.segment_sum(x * scores, batch, num_segments=G)
    return gx

if __name__ == "__main__":
    import jax
    _d = setup_inputs()
    print(jax.jit(kernel)(*tuple(_d.values())))

</pallas_src>

<mosaic_0001>
#map = affine_map<(d0, d1) -> (0)>
#map1 = affine_map<(d0, d1) -> (0, 0)>
module attributes {stable_mosaic.version = 14 : i64} {
  func.func @_phase_b_body(%arg0: i32, %arg1: i32, %arg2: memref<10000xf32, #tpu.memory_space<hbm>>, %arg3: memref<160000xi32, #tpu.memory_space<hbm>>, %arg4: memref<160000xi32, #tpu.memory_space<hbm>>, %arg5: memref<2x10240xf32, #tpu.memory_space<hbm>>, %arg6: memref<5016xi32, #tpu.memory_space<vmem>>, %arg7: memref<5016xi32, #tpu.memory_space<vmem>>, %arg8: memref<10000xf32, #tpu.memory_space<vmem>>, %arg9: memref<10240xf32, #tpu.memory_space<vmem>>, %arg10: memref<16x640xf32, #tpu.memory_space<vmem>>, %arg11: memref<640xf32, #tpu.memory_space<vmem>>, %arg12: memref<16x10240xf32, #tpu.memory_space<vmem_shared>>, %arg13: memref<!tpu.dma_semaphore, #tpu.memory_space<semaphore_mem>>) attributes {dimension_semantics = [#tpu.dimension_semantics<core_parallel>, #tpu.dimension_semantics<subcore_parallel>], iteration_bounds = array<i64: 2, 16>, scalar_prefetch = 0 : i64, scratch_operands = 8 : i64, tpu.core_type = #tpu.core_type<sc_vector_subcore>, window_params = [{transform_indices = #map}, {transform_indices = #map}, {transform_indices = #map}, {transform_indices = #map1}]} {
    %mul3A = arith.constant 2 : i32
    %mul3A_0 = arith.muli %arg1, %mul3A : i32
    %add3A = arith.addi %mul3A_0, %arg0 : i32
    %mul3A_1 = arith.constant 5000 : i32
    %mul3A_2 = arith.muli %add3A, %mul3A_1 : i32
    %dma_start3A = arith.constant 0 : i32
    %dma_start3A_3 = tpu.memref_slice %arg6[%dma_start3A] : memref<5016xi32, #tpu.memory_space<vmem>> -> memref<5000xi32, #tpu.memory_space<vmem>>
    %dma_start3A_4 = tpu.memref_slice %arg3[%mul3A_2] : memref<160000xi32, #tpu.memory_space<hbm>> -> memref<5000xi32, #tpu.memory_space<hbm>>
    %dma_start3A_5 = arith.constant 0 : i32
    %dma_start3A_6 = tpu.memref_slice %arg6[%dma_start3A_5] : memref<5016xi32, #tpu.memory_space<vmem>> -> memref<5000xi32, #tpu.memory_space<vmem>>
    %dma_start3A_7 = tpu.memref_slice %arg3[%mul3A_2] : memref<160000xi32, #tpu.memory_space<hbm>> -> memref<5000xi32, #tpu.memory_space<hbm>>
    tpu.enqueue_dma source(%dma_start3A_7 : memref<5000xi32, #tpu.memory_space<hbm>>) target(%dma_start3A_6 : memref<5000xi32, #tpu.memory_space<vmem>>) target_semaphore(%arg13 : memref<!tpu.dma_semaphore, #tpu.memory_space<semaphore_mem>>)
    %dma_start3A_8 = arith.constant 0 : i32
    %dma_start3A_9 = tpu.memref_slice %arg7[%dma_start3A_8] : memref<5016xi32, #tpu.memory_space<vmem>> -> memref<5000xi32, #tpu.memory_space<vmem>>
    %dma_start3A_10 = tpu.memref_slice %arg4[%mul3A_2] : memref<160000xi32, #tpu.memory_space<hbm>> -> memref<5000xi32, #tpu.memory_space<hbm>>
    %dma_start3A_11 = arith.constant 0 : i32
    %dma_start3A_12 = tpu.memref_slice %arg7[%dma_start3A_11] : memref<5016xi32, #tpu.memory_space<vmem>> -> memref<5000xi32, #tpu.memory_space<vmem>>
    %dma_start3A_13 = tpu.memref_slice %arg4[%mul3A_2] : memref<160000xi32, #tpu.memory_space<hbm>> -> memref<5000xi32, #tpu.memory_space<hbm>>
    tpu.enqueue_dma source(%dma_start3A_13 : memref<5000xi32, #tpu.memory_space<hbm>>) target(%dma_start3A_12 : memref<5000xi32, #tpu.memory_space<vmem>>) target_semaphore(%arg13 : memref<!tpu.dma_semaphore, #tpu.memory_space<semaphore_mem>>)
    tpu.enqueue_dma source(%arg2 : memref<10000xf32, #tpu.memory_space<hbm>>) target(%arg8 : memref<10000xf32, #tpu.memory_space<vmem>>) target_semaphore(%arg13 : memref<!tpu.dma_semaphore, #tpu.memory_space<semaphore_mem>>)
    %broadcast_in_dim3A = arith.constant 0.000000e+00 : f32
    %broadcast_in_dim3A_14 = vector.broadcast %broadcast_in_dim3A : f32 to vector<16xf32>
    %scan3A = arith.constant 0 : i32
    %scan3A_15 = arith.constant 0 : i32
    %scan3A_16 = arith.constant 80 : i32
    %scan3A_17 = arith.addi %scan3A_15, %scan3A_16 : i32
    %scan3A_18 = arith.constant 1 : i32
    scf.for %scan3A_61 = %scan3A_15 to %scan3A_17 step %scan3A_18  : i32 {
      %mul3A_62 = arith.constant 128 : i32
      %mul3A_63 = arith.muli %scan3A_61, %mul3A_62 : i32
      %add3A_64 = arith.constant 0 : i32
      %add3A_65 = arith.addi %mul3A_63, %add3A_64 : i32
      %swap3A_66 = arith.index_cast %add3A_65 : i32 to index
      %swap3A_67 = tpu.vector_load %arg9[%swap3A_66] {strides = array<i32>} : memref<10240xf32, #tpu.memory_space<vmem>>, vector<16xf32>,
      tpu.vector_store %arg9[%swap3A_66], %broadcast_in_dim3A_14 {strides = array<i32>} : memref<10240xf32, #tpu.memory_space<vmem>>, vector<16xf32>,
      %mul3A_68 = arith.constant 128 : i32
      %mul3A_69 = arith.muli %scan3A_61, %mul3A_68 : i32
      %add3A_70 = arith.constant 16 : i32
      %add3A_71 = arith.addi %mul3A_69, %add3A_70 : i32
      %swap3A_72 = arith.index_cast %add3A_71 : i32 to index
      %swap3A_73 = tpu.vector_load %arg9[%swap3A_72] {strides = array<i32>} : memref<10240xf32, #tpu.memory_space<vmem>>, vector<16xf32>,
      tpu.vector_store %arg9[%swap3A_72], %broadcast_in_dim3A_14 {strides = array<i32>} : memref<10240xf32, #tpu.memory_space<vmem>>, vector<16xf32>,
      %mul3A_74 = arith.constant 128 : i32
      %mul3A_75 = arith.muli %scan3A_61, %mul3A_74 : i32
      %add3A_76 = arith.constant 32 : i32
      %add3A_77 = arith.addi %mul3A_75, %add3A_76 : i32
      %swap3A_78 = arith.index_cast %add3A_77 : i32 to index
      %swap3A_79 = tpu.vector_load %arg9[%swap3A_78] {strides = array<i32>} : memref<10240xf32, #tpu.memory_space<vmem>>, vector<16xf32>,
      tpu.vector_store %arg9[%swap3A_78], %broadcast_in_dim3A_14 {strides = array<i32>} : memref<10240xf32, #tpu.memory_space<vmem>>, vector<16xf32>,
      %mul3A_80 = arith.constant 128 : i32
      %mul3A_81 = arith.muli %scan3A_61, %mul3A_80 : i32
      %add3A_82 = arith.constant 48 : i32
      %add3A_83 = arith.addi %mul3A_81, %add3A_82 : i32
      %swap3A_84 = arith.index_cast %add3A_83 : i32 to index
      %swap3A_85 = tpu.vector_load %arg9[%swap3A_84] {strides = array<i32>} : memref<10240xf32, #tpu.memory_space<vmem>>, vector<16xf32>,
      tpu.vector_store %arg9[%swap3A_84], %broadcast_in_dim3A_14 {strides = array<i32>} : memref<10240xf32, #tpu.memory_space<vmem>>, vector<16xf32>,
      %mul3A_86 = arith.constant 128 : i32
      %mul3A_87 = arith.muli %scan3A_61, %mul3A_86 : i32
      %add3A_88 = arith.constant 64 : i32
      %add3A_89 = arith.addi %mul3A_87, %add3A_88 : i32
      %swap3A_90 = arith.index_cast %add3A_89 : i32 to index
      %swap3A_91 = tpu.vector_load %arg9[%swap3A_90] {strides = array<i32>} : memref<10240xf32, #tpu.memory_space<vmem>>, vector<16xf32>,
      tpu.vector_store %arg9[%swap3A_90], %broadcast_in_dim3A_14 {strides = array<i32>} : memref<10240xf32, #tpu.memory_space<vmem>>, vector<16xf32>,
      %mul3A_92 = arith.constant 128 : i32
      %mul3A_93 = arith.muli %scan3A_61, %mul3A_92 : i32
      %add3A_94 = arith.constant 80 : i32
      %add3A_95 = arith.addi %mul3A_93, %add3A_94 : i32
      %swap3A_96 = arith.index_cast %add3A_95 : i32 to index
      %swap3A_97 = tpu.vector_load %arg9[%swap3A_96] {strides = array<i32>} : memref<10240xf32, #tpu.memory_space<vmem>>, vector<16xf32>,
      tpu.vector_store %arg9[%swap3A_96], %broadcast_in_dim3A_14 {strides = array<i32>} : memref<10240xf32, #tpu.memory_space<vmem>>, vector<16xf32>,
      %mul3A_98 = arith.constant 128 : i32
      %mul3A_99 = arith.muli %scan3A_61, %mul3A_98 : i32
      %add3A_100 = arith.constant 96 : i32
      %add3A_101 = arith.addi %mul3A_99, %add3A_100 : i32
      %swap3A_102 = arith.index_cast %add3A_101 : i32 to index
      %swap3A_103 = tpu.vector_load %arg9[%swap3A_102] {strides = array<i32>} : memref<10240xf32, #tpu.memory_space<vmem>>, vector<16xf32>,
      tpu.vector_store %arg9[%swap3A_102], %broadcast_in_dim3A_14 {strides = array<i32>} : memref<10240xf32, #tpu.memory_space<vmem>>, vector<16xf32>,
      %mul3A_104 = arith.constant 128 : i32
      %mul3A_105 = arith.muli %scan3A_61, %mul3A_104 : i32
      %add3A_106 = arith.constant 112 : i32
      %add3A_107 = arith.addi %mul3A_105, %add3A_106 : i32
      %swap3A_108 = arith.index_cast %add3A_107 : i32 to index
      %swap3A_109 = tpu.vector_load %arg9[%swap3A_108] {strides = array<i32>} : memref<10240xf32, #tpu.memory_space<vmem>>, vector<16xf32>,
      tpu.vector_store %arg9[%swap3A_108], %broadcast_in_dim3A_14 {strides = array<i32>} : memref<10240xf32, #tpu.memory_space<vmem>>, vector<16xf32>,
    }
    %scan3A_19 = arith.constant 80 : i32
    %dma_wait3A = arith.constant 0 : i32
    %dma_wait3A_20 = tpu.memref_slice %arg6[%dma_wait3A] : memref<5016xi32, #tpu.memory_space<vmem>> -> memref<5000xi32, #tpu.memory_space<vmem>>
    %dma_wait3A_21 = tpu.memref_slice %arg3[%mul3A_2] : memref<160000xi32, #tpu.memory_space<hbm>> -> memref<5000xi32, #tpu.memory_space<hbm>>
    %dma_wait3A_22 = arith.constant 0 : i32
    %dma_wait3A_23 = tpu.memref_slice %arg6[%dma_wait3A_22] : memref<5016xi32, #tpu.memory_space<vmem>> -> memref<5000xi32, #tpu.memory_space<vmem>>
    %dma_wait3A_24 = tpu.memref_slice %arg3[%mul3A_2] : memref<160000xi32, #tpu.memory_space<hbm>> -> memref<5000xi32, #tpu.memory_space<hbm>>
    tpu.wait_dma2 semaphore(%arg13 : memref<!tpu.dma_semaphore, #tpu.memory_space<semaphore_mem>>) src(%dma_wait3A_24 : memref<5000xi32, #tpu.memory_space<hbm>>) dst(%dma_wait3A_23 : memref<5000xi32, #tpu.memory_space<vmem>>)
    %dma_wait3A_25 = arith.constant 0 : i32
    %dma_wait3A_26 = tpu.memref_slice %arg7[%dma_wait3A_25] : memref<5016xi32, #tpu.memory_space<vmem>> -> memref<5000xi32, #tpu.memory_space<vmem>>
    %dma_wait3A_27 = tpu.memref_slice %arg4[%mul3A_2] : memref<160000xi32, #tpu.memory_space<hbm>> -> memref<5000xi32, #tpu.memory_space<hbm>>
    %dma_wait3A_28 = arith.constant 0 : i32
    %dma_wait3A_29 = tpu.memref_slice %arg7[%dma_wait3A_28] : memref<5016xi32, #tpu.memory_space<vmem>> -> memref<5000xi32, #tpu.memory_space<vmem>>
    %dma_wait3A_30 = tpu.memref_slice %arg4[%mul3A_2] : memref<160000xi32, #tpu.memory_space<hbm>> -> memref<5000xi32, #tpu.memory_space<hbm>>
    tpu.wait_dma2 semaphore(%arg13 : memref<!tpu.dma_semaphore, #tpu.memory_space<semaphore_mem>>) src(%dma_wait3A_30 : memref<5000xi32, #tpu.memory_space<hbm>>) dst(%dma_wait3A_29 : memref<5000xi32, #tpu.memory_space<vmem>>)
    tpu.wait_dma2 semaphore(%arg13 : memref<!tpu.dma_semaphore, #tpu.memory_space<semaphore_mem>>) src(%arg2 : memref<10000xf32, #tpu.memory_space<hbm>>) dst(%arg8 : memref<10000xf32, #tpu.memory_space<vmem>>)
    %iota3A = tpu.iota {dimensions = array<i32: 0>} : vector<16xi32>
    %lt3A = arith.constant 8 : i32
    %lt3A_31 = vector.broadcast %lt3A : i32 to vector<16xi32>
    %lt3A_32 = arith.cmpi slt, %iota3A, %lt3A_31 : vector<16xi32>
    %get3A = arith.constant 4992 : index
    %get3A_33 = tpu.vector_load %arg6[%get3A] {strides = array<i32>} : memref<5016xi32, #tpu.memory_space<vmem>>, vector<16xi32>,
    %jit3A = arith.constant 0 : i32
    %broadcast_in_dim3A_34 = vector.broadcast %jit3A : i32 to vector<16xi32>
    %select_n3A = arith.select %lt3A_32, %get3A_33, %broadcast_in_dim3A_34 : vector<16xi1>, vector<16xi32>
    %swap3A = arith.constant 4992 : index
    %swap3A_35 = tpu.vector_load %arg6[%swap3A] {strides = array<i32>} : memref<5016xi32, #tpu.memory_space<vmem>>, vector<16xi32>,
    tpu.vector_store %arg6[%swap3A], %select_n3A {strides = array<i32>} : memref<5016xi32, #tpu.memory_space<vmem>>, vector<16xi32>,
    %get3A_36 = arith.constant 4992 : index
    %get3A_37 = tpu.vector_load %arg7[%get3A_36] {strides = array<i32>} : memref<5016xi32, #tpu.memory_space<vmem>>, vector<16xi32>,
    %jit3A_38 = arith.constant 10239 : i32
    %broadcast_in_dim3A_39 = vector.broadcast %jit3A_38 : i32 to vector<16xi32>
    %select_n3A_40 = arith.select %lt3A_32, %get3A_37, %broadcast_in_dim3A_39 : vector<16xi1>, vector<16xi32>
    %swap3A_41 = arith.constant 4992 : index
    %swap3A_42 = tpu.vector_load %arg7[%swap3A_41] {strides = array<i32>} : memref<5016xi32, #tpu.memory_space<vmem>>, vector<16xi32>,
    tpu.vector_store %arg7[%swap3A_41], %select_n3A_40 {strides = array<i32>} : memref<5016xi32, #tpu.memory_space<vmem>>, vector<16xi32>,
    %scan3A_43 = arith.constant 0 : i32
    %scan3A_44 = arith.constant 0 : i32
    %scan3A_45 = arith.constant 78 : i32
    %scan3A_46 = arith.addi %scan3A_44, %scan3A_45 : i32
    %scan3A_47 = arith.constant 1 : i32
    scf.for %scan3A_61 = %scan3A_44 to %scan3A_46 step %scan3A_47  : i32 {
      %mul3A_62 = arith.constant 64 : i32
      %mul3A_63 = arith.muli %scan3A_61, %mul3A_62 : i32
      %add3A_64 = arith.constant 0 : i32
      %add3A_65 = arith.addi %mul3A_63, %add3A_64 : i32
      %get3A_66 = arith.index_cast %add3A_65 : i32 to index
      %get3A_67 = tpu.vector_load %arg6[%get3A_66] {strides = array<i32>} : memref<5016xi32, #tpu.memory_space<vmem>>, vector<16xi32>,
      %get3A_68 = arith.index_cast %add3A_65 : i32 to index
      %get3A_69 = tpu.vector_load %arg7[%get3A_68] {strides = array<i32>} : memref<5016xi32, #tpu.memory_space<vmem>>, vector<16xi32>,
      %gather3A_70 = tpu.vector_load_idx %arg8[%get3A_67] : memref<10000xf32, #tpu.memory_space<vmem>>[vector<16xi32>], vector<16xf32>,
      tpu.vector_store_idx %arg9[%get3A_69], %gather3A_70 {add = true} : memref<10240xf32, #tpu.memory_space<vmem>>[vector<16xi32>], vector<16xf32>,
      %mul3A_71 = arith.constant 64 : i32
      %mul3A_72 = arith.muli %scan3A_61, %mul3A_71 : i32
      %add3A_73 = arith.constant 16 : i32
      %add3A_74 = arith.addi %mul3A_72, %add3A_73 : i32
      %get3A_75 = arith.index_cast %add3A_74 : i32 to index
      %get3A_76 = tpu.vector_load %arg6[%get3A_75] {strides = array<i32>} : memref<5016xi32, #tpu.memory_space<vmem>>, vector<16xi32>,
      %get3A_77 = arith.index_cast %add3A_74 : i32 to index
      %get3A_78 = tpu.vector_load %arg7[%get3A_77] {strides = array<i32>} : memref<5016xi32, #tpu.memory_space<vmem>>, vector<16xi32>,
      %gather3A_79 = tpu.vector_load_idx %arg8[%get3A_76] : memref<10000xf32, #tpu.memory_space<vmem>>[vector<16xi32>], vector<16xf32>,
      tpu.vector_store_idx %arg9[%get3A_78], %gather3A_79 {add = true} : memref<10240xf32, #tpu.memory_space<vmem>>[vector<16xi32>], vector<16xf32>,
      %mul3A_80 = arith.constant 64 : i32
      %mul3A_81 = arith.muli %scan3A_61, %mul3A_80 : i32
      %add3A_82 = arith.constant 32 : i32
      %add3A_83 = arith.addi %mul3A_81, %add3A_82 : i32
      %get3A_84 = arith.index_cast %add3A_83 : i32 to index
      %get3A_85 = tpu.vector_load %arg6[%get3A_84] {strides = array<i32>} : memref<5016xi32, #tpu.memory_space<vmem>>, vector<16xi32>,
      %get3A_86 = arith.index_cast %add3A_83 : i32 to index
      %get3A_87 = tpu.vector_load %arg7[%get3A_86] {strides = array<i32>} : memref<5016xi32, #tpu.memory_space<vmem>>, vector<16xi32>,
      %gather3A_88 = tpu.vector_load_idx %arg8[%get3A_85] : memref<10000xf32, #tpu.memory_space<vmem>>[vector<16xi32>], vector<16xf32>,
      tpu.vector_store_idx %arg9[%get3A_87], %gather3A_88 {add = true} : memref<10240xf32, #tpu.memory_space<vmem>>[vector<16xi32>], vector<16xf32>,
      %mul3A_89 = arith.constant 64 : i32
      %mul3A_90 = arith.muli %scan3A_61, %mul3A_89 : i32
      %add3A_91 = arith.constant 48 : i32
      %add3A_92 = arith.addi %mul3A_90, %add3A_91 : i32
      %get3A_93 = arith.index_cast %add3A_92 : i32 to index
      %get3A_94 = tpu.vector_load %arg6[%get3A_93] {strides = array<i32>} : memref<5016xi32, #tpu.memory_space<vmem>>, vector<16xi32>,
      %get3A_95 = arith.index_cast %add3A_92 : i32 to index
      %get3A_96 = tpu.vector_load %arg7[%get3A_95] {strides = array<i32>} : memref<5016xi32, #tpu.memory_space<vmem>>, vector<16xi32>,
      %gather3A_97 = tpu.vector_load_idx %arg8[%get3A_94] : memref<10000xf32, #tpu.memory_space<vmem>>[vector<16xi32>], vector<16xf32>,
      tpu.vector_store_idx %arg9[%get3A_96], %gather3A_97 {add = true} : memref<10240xf32, #tpu.memory_space<vmem>>[vector<16xi32>], vector<16xf32>,
    }
    %scan3A_48 = arith.constant 78 : i32
    %get3A_49 = arith.constant 4992 : index
    %get3A_50 = tpu.vector_load %arg6[%get3A_49] {strides = array<i32>} : memref<5016xi32, #tpu.memory_space<vmem>>, vector<16xi32>,
    %get3A_51 = arith.constant 4992 : index
    %get3A_52 = tpu.vector_load %arg7[%get3A_51] {strides = array<i32>} : memref<5016xi32, #tpu.memory_space<vmem>>, vector<16xi32>,
    %gather3A = tpu.vector_load_idx %arg8[%get3A_50] : memref<10000xf32, #tpu.memory_space<vmem>>[vector<16xi32>], vector<16xf32>,
    tpu.vector_store_idx %arg9[%get3A_52], %gather3A {add = true} : memref<10240xf32, #tpu.memory_space<vmem>>[vector<16xi32>], vector<16xf32>,
    "tpu.region"() ({
      %run_scoped3A = tpu.sem_alloc : memref<!tpu.dma_semaphore, #tpu.memory_space<semaphore_mem>>
      %dma_start3A_61 = arith.constant 0 : i32
      %dma_start3A_62 = tpu.memref_slice %arg12[%arg1, %dma_start3A_61] : memref<16x10240xf32, #tpu.memory_space<vmem_shared>> -> memref<1x10240xf32, #tpu.memory_space<vmem_shared>>
      %dma_start3A_63 = tpu.memref_squeeze %dma_start3A_62 : memref<1x10240xf32, #tpu.memory_space<vmem_shared>> -> memref<10240xf32, #tpu.memory_space<vmem_shared>>
      %dma_start3A_64 = arith.constant 0 : i32
      %dma_start3A_65 = tpu.memref_slice %arg12[%arg1, %dma_start3A_64] : memref<16x10240xf32, #tpu.memory_space<vmem_shared>> -> memref<1x10240xf32, #tpu.memory_space<vmem_shared>>
      %dma_start3A_66 = tpu.memref_squeeze %dma_start3A_65 : memref<1x10240xf32, #tpu.memory_space<vmem_shared>> -> memref<10240xf32, #tpu.memory_space<vmem_shared>>
      tpu.enqueue_dma source(%arg9 : memref<10240xf32, #tpu.memory_space<vmem>>) target(%dma_start3A_66 : memref<10240xf32, #tpu.memory_space<vmem_shared>>) target_semaphore(%run_scoped3A : memref<!tpu.dma_semaphore, #tpu.memory_space<semaphore_mem>>)
      %dma_wait3A_67 = arith.constant 0 : i32
      %dma_wait3A_68 = tpu.memref_slice %arg12[%arg1, %dma_wait3A_67] : memref<16x10240xf32, #tpu.memory_space<vmem_shared>> -> memref<1x10240xf32, #tpu.memory_space<vmem_shared>>
      %dma_wait3A_69 = tpu.memref_squeeze %dma_wait3A_68 : memref<1x10240xf32, #tpu.memory_space<vmem_shared>> -> memref<10240xf32, #tpu.memory_space<vmem_shared>>
      %dma_wait3A_70 = arith.constant 0 : i32
      %dma_wait3A_71 = tpu.memref_slice %arg12[%arg1, %dma_wait3A_70] : memref<16x10240xf32, #tpu.memory_space<vmem_shared>> -> memref<1x10240xf32, #tpu.memory_space<vmem_shared>>
      %dma_wait3A_72 = tpu.memref_squeeze %dma_wait3A_71 : memref<1x10240xf32, #tpu.memory_space<vmem_shared>> -> memref<10240xf32, #tpu.memory_space<vmem_shared>>
      tpu.wait_dma2 semaphore(%run_scoped3A : memref<!tpu.dma_semaphore, #tpu.memory_space<semaphore_mem>>) src(%arg9 : memref<10240xf32, #tpu.memory_space<vmem>>) dst(%dma_wait3A_72 : memref<10240xf32, #tpu.memory_space<vmem_shared>>)
      tpu.yield
    }) : () -> ()
    %barrier3A = arith.constant 0 : index
    tpu.barrier barrier_id(%barrier3A)
    %mul3A_53 = arith.constant 640 : i32
    %mul3A_54 = arith.muli %arg1, %mul3A_53 : i32
    "tpu.region"() ({
      %run_scoped3A = tpu.sem_alloc : memref<!tpu.dma_semaphore, #tpu.memory_space<semaphore_mem>>
      %dma_start3A_61 = arith.constant 0 : i32
      %dma_start3A_62 = tpu.memref_slice %arg12[%dma_start3A_61, %mul3A_54] : memref<16x10240xf32, #tpu.memory_space<vmem_shared>> -> memref<16x640xf32, #tpu.memory_space<vmem_shared>>
      %dma_start3A_63 = arith.constant 0 : i32
      %dma_start3A_64 = tpu.memref_slice %arg12[%dma_start3A_63, %mul3A_54] : memref<16x10240xf32, #tpu.memory_space<vmem_shared>> -> memref<16x640xf32, #tpu.memory_space<vmem_shared>>
      tpu.enqueue_dma source(%dma_start3A_64 : memref<16x640xf32, #tpu.memory_space<vmem_shared>>) target(%arg10 : memref<16x640xf32, #tpu.memory_space<vmem>>) target_semaphore(%run_scoped3A : memref<!tpu.dma_semaphore, #tpu.memory_space<semaphore_mem>>)
      %dma_wait3A_65 = arith.constant 0 : i32
      %dma_wait3A_66 = tpu.memref_slice %arg12[%dma_wait3A_65, %mul3A_54] : memref<16x10240xf32, #tpu.memory_space<vmem_shared>> -> memref<16x640xf32, #tpu.memory_space<vmem_shared>>
      %dma_wait3A_67 = arith.constant 0 : i32
      %dma_wait3A_68 = tpu.memref_slice %arg12[%dma_wait3A_67, %mul3A_54] : memref<16x10240xf32, #tpu.memory_space<vmem_shared>> -> memref<16x640xf32, #tpu.memory_space<vmem_shared>>
      tpu.wait_dma2 semaphore(%run_scoped3A : memref<!tpu.dma_semaphore, #tpu.memory_space<semaphore_mem>>) src(%dma_wait3A_68 : memref<16x640xf32, #tpu.memory_space<vmem_shared>>) dst(%arg10 : memref<16x640xf32, #tpu.memory_space<vmem>>)
      tpu.yield
    }) : () -> ()
    %scan3A_55 = arith.constant 0 : i32
    %scan3A_56 = arith.constant 0 : i32
    %scan3A_57 = arith.constant 40 : i32
    %scan3A_58 = arith.addi %scan3A_56, %scan3A_57 : i32
    %scan3A_59 = arith.constant 1 : i32
    scf.for %scan3A_61 = %scan3A_56 to %scan3A_58 step %scan3A_59  : i32 {
      %mul3A_62 = arith.constant 16 : i32
      %mul3A_63 = arith.muli %scan3A_61, %mul3A_62 : i32
      %get3A_64 = arith.constant 0 : i32
      %get3A_65 = arith.index_cast %get3A_64 : i32 to index
      %get3A_66 = arith.index_cast %mul3A_63 : i32 to index
      %get3A_67 = tpu.vector_load %arg10[%get3A_65, %get3A_66] {strides = array<i32>} : memref<16x640xf32, #tpu.memory_space<vmem>>, vector<16xf32>,
      %mul3A_68 = arith.constant 16 : i32
      %mul3A_69 = arith.muli %scan3A_61, %mul3A_68 : i32
      %get3A_70 = arith.constant 1 : i32
      %get3A_71 = arith.index_cast %get3A_70 : i32 to index
      %get3A_72 = arith.index_cast %mul3A_69 : i32 to index
      %get3A_73 = tpu.vector_load %arg10[%get3A_71, %get3A_72] {strides = array<i32>} : memref<16x640xf32, #tpu.memory_space<vmem>>, vector<16xf32>,
      %add3A_74 = arith.addf %get3A_67, %get3A_73 : vector<16xf32>
      %mul3A_75 = arith.constant 16 : i32
      %mul3A_76 = arith.muli %scan3A_61, %mul3A_75 : i32
      %get3A_77 = arith.constant 2 : i32
      %get3A_78 = arith.index_cast %get3A_77 : i32 to index
      %get3A_79 = arith.index_cast %mul3A_76 : i32 to index
      %get3A_80 = tpu.vector_load %arg10[%get3A_78, %get3A_79] {strides = array<i32>} : memref<16x640xf32, #tpu.memory_space<vmem>>, vector<16xf32>,
      %add3A_81 = arith.addf %add3A_74, %get3A_80 : vector<16xf32>
      %mul3A_82 = arith.constant 16 : i32
      %mul3A_83 = arith.muli %scan3A_61, %mul3A_82 : i32
      %get3A_84 = arith.constant 3 : i32
      %get3A_85 = arith.index_cast %get3A_84 : i32 to index
      %get3A_86 = arith.index_cast %mul3A_83 : i32 to index
      %get3A_87 = tpu.vector_load %arg10[%get3A_85, %get3A_86] {strides = array<i32>} : memref<16x640xf32, #tpu.memory_space<vmem>>, vector<16xf32>,
      %add3A_88 = arith.addf %add3A_81, %get3A_87 : vector<16xf32>
      %mul3A_89 = arith.constant 16 : i32
      %mul3A_90 = arith.muli %scan3A_61, %mul3A_89 : i32
      %get3A_91 = arith.constant 4 : i32
      %get3A_92 = arith.index_cast %get3A_91 : i32 to index
      %get3A_93 = arith.index_cast %mul3A_90 : i32 to index
      %get3A_94 = tpu.vector_load %arg10[%get3A_92, %get3A_93] {strides = array<i32>} : memref<16x640xf32, #tpu.memory_space<vmem>>, vector<16xf32>,
      %add3A_95 = arith.addf %add3A_88, %get3A_94 : vector<16xf32>
      %mul3A_96 = arith.constant 16 : i32
      %mul3A_97 = arith.muli %scan3A_61, %mul3A_96 : i32
      %get3A_98 = arith.constant 5 : i32
      %get3A_99 = arith.index_cast %get3A_98 : i32 to index
      %get3A_100 = arith.index_cast %mul3A_97 : i32 to index
      %get3A_101 = tpu.vector_load %arg10[%get3A_99, %get3A_100] {strides = array<i32>} : memref<16x640xf32, #tpu.memory_space<vmem>>, vector<16xf32>,
      %add3A_102 = arith.addf %add3A_95, %get3A_101 : vector<16xf32>
      %mul3A_103 = arith.constant 16 : i32
      %mul3A_104 = arith.muli %scan3A_61, %mul3A_103 : i32
      %get3A_105 = arith.constant 6 : i32
      %get3A_106 = arith.index_cast %get3A_105 : i32 to index
      %get3A_107 = arith.index_cast %mul3A_104 : i32 to index
      %get3A_108 = tpu.vector_load %arg10[%get3A_106, %get3A_107] {strides = array<i32>} : memref<16x640xf32, #tpu.memory_space<vmem>>, vector<16xf32>,
      %add3A_109 = arith.addf %add3A_102, %get3A_108 : vector<16xf32>
      %mul3A_110 = arith.constant 16 : i32
      %mul3A_111 = arith.muli %scan3A_61, %mul3A_110 : i32
      %get3A_112 = arith.constant 7 : i32
      %get3A_113 = arith.index_cast %get3A_112 : i32 to index
      %get3A_114 = arith.index_cast %mul3A_111 : i32 to index
      %get3A_115 = tpu.vector_load %arg10[%get3A_113, %get3A_114] {strides = array<i32>} : memref<16x640xf32, #tpu.memory_space<vmem>>, vector<16xf32>,
      %add3A_116 = arith.addf %add3A_109, %get3A_115 : vector<16xf32>
      %mul3A_117 = arith.constant 16 : i32
      %mul3A_118 = arith.muli %scan3A_61, %mul3A_117 : i32
      %get3A_119 = arith.constant 8 : i32
      %get3A_120 = arith.index_cast %get3A_119 : i32 to index
      %get3A_121 = arith.index_cast %mul3A_118 : i32 to index
      %get3A_122 = tpu.vector_load %arg10[%get3A_120, %get3A_121] {strides = array<i32>} : memref<16x640xf32, #tpu.memory_space<vmem>>, vector<16xf32>,
      %add3A_123 = arith.addf %add3A_116, %get3A_122 : vector<16xf32>
      %mul3A_124 = arith.constant 16 : i32
      %mul3A_125 = arith.muli %scan3A_61, %mul3A_124 : i32
      %get3A_126 = arith.constant 9 : i32
      %get3A_127 = arith.index_cast %get3A_126 : i32 to index
      %get3A_128 = arith.index_cast %mul3A_125 : i32 to index
      %get3A_129 = tpu.vector_load %arg10[%get3A_127, %get3A_128] {strides = array<i32>} : memref<16x640xf32, #tpu.memory_space<vmem>>, vector<16xf32>,
      %add3A_130 = arith.addf %add3A_123, %get3A_129 : vector<16xf32>
      %mul3A_131 = arith.constant 16 : i32
      %mul3A_132 = arith.muli %scan3A_61, %mul3A_131 : i32
      %get3A_133 = arith.constant 10 : i32
      %get3A_134 = arith.index_cast %get3A_133 : i32 to index
      %get3A_135 = arith.index_cast %mul3A_132 : i32 to index
      %get3A_136 = tpu.vector_load %arg10[%get3A_134, %get3A_135] {strides = array<i32>} : memref<16x640xf32, #tpu.memory_space<vmem>>, vector<16xf32>,
      %add3A_137 = arith.addf %add3A_130, %get3A_136 : vector<16xf32>
      %mul3A_138 = arith.constant 16 : i32
      %mul3A_139 = arith.muli %scan3A_61, %mul3A_138 : i32
      %get3A_140 = arith.constant 11 : i32
      %get3A_141 = arith.index_cast %get3A_140 : i32 to index
      %get3A_142 = arith.index_cast %mul3A_139 : i32 to index
      %get3A_143 = tpu.vector_load %arg10[%get3A_141, %get3A_142] {strides = array<i32>} : memref<16x640xf32, #tpu.memory_space<vmem>>, vector<16xf32>,
      %add3A_144 = arith.addf %add3A_137, %get3A_143 : vector<16xf32>
      %mul3A_145 = arith.constant 16 : i32
      %mul3A_146 = arith.muli %scan3A_61, %mul3A_145 : i32
      %get3A_147 = arith.constant 12 : i32
      %get3A_148 = arith.index_cast %get3A_147 : i32 to index
      %get3A_149 = arith.index_cast %mul3A_146 : i32 to index
      %get3A_150 = tpu.vector_load %arg10[%get3A_148, %get3A_149] {strides = array<i32>} : memref<16x640xf32, #tpu.memory_space<vmem>>, vector<16xf32>,
      %add3A_151 = arith.addf %add3A_144, %get3A_150 : vector<16xf32>
      %mul3A_152 = arith.constant 16 : i32
      %mul3A_153 = arith.muli %scan3A_61, %mul3A_152 : i32
      %get3A_154 = arith.constant 13 : i32
      %get3A_155 = arith.index_cast %get3A_154 : i32 to index
      %get3A_156 = arith.index_cast %mul3A_153 : i32 to index
      %get3A_157 = tpu.vector_load %arg10[%get3A_155, %get3A_156] {strides = array<i32>} : memref<16x640xf32, #tpu.memory_space<vmem>>, vector<16xf32>,
      %add3A_158 = arith.addf %add3A_151, %get3A_157 : vector<16xf32>
      %mul3A_159 = arith.constant 16 : i32
      %mul3A_160 = arith.muli %scan3A_61, %mul3A_159 : i32
      %get3A_161 = arith.constant 14 : i32
      %get3A_162 = arith.index_cast %get3A_161 : i32 to index
      %get3A_163 = arith.index_cast %mul3A_160 : i32 to index
      %get3A_164 = tpu.vector_load %arg10[%get3A_162, %get3A_163] {strides = array<i32>} : memref<16x640xf32, #tpu.memory_space<vmem>>, vector<16xf32>,
      %add3A_165 = arith.addf %add3A_158, %get3A_164 : vector<16xf32>
      %mul3A_166 = arith.constant 16 : i32
      %mul3A_167 = arith.muli %scan3A_61, %mul3A_166 : i32
      %get3A_168 = arith.constant 15 : i32
      %get3A_169 = arith.index_cast %get3A_168 : i32 to index
      %get3A_170 = arith.index_cast %mul3A_167 : i32 to index
      %get3A_171 = tpu.vector_load %arg10[%get3A_169, %get3A_170] {strides = array<i32>} : memref<16x640xf32, #tpu.memory_space<vmem>>, vector<16xf32>,
      %add3A_172 = arith.addf %add3A_165, %get3A_171 : vector<16xf32>
      %mul3A_173 = arith.constant 16 : i32
      %mul3A_174 = arith.muli %scan3A_61, %mul3A_173 : i32
      %swap3A_175 = arith.index_cast %mul3A_174 : i32 to index
      %swap3A_176 = tpu.vector_load %arg11[%swap3A_175] {strides = array<i32>} : memref<640xf32, #tpu.memory_space<vmem>>, vector<16xf32>,
      tpu.vector_store %arg11[%swap3A_175], %add3A_172 {strides = array<i32>} : memref<640xf32, #tpu.memory_space<vmem>>, vector<16xf32>,
    }
    %scan3A_60 = arith.constant 40 : i32
    "tpu.region"() ({
      %run_scoped3A = tpu.sem_alloc : memref<!tpu.dma_semaphore, #tpu.memory_space<semaphore_mem>>
      %dma_start3A_61 = tpu.memref_slice %arg5[%arg0, %mul3A_54] : memref<2x10240xf32, #tpu.memory_space<hbm>> -> memref<1x640xf32, #tpu.memory_space<hbm>>
      %dma_start3A_62 = tpu.memref_squeeze %dma_start3A_61 : memref<1x640xf32, #tpu.memory_space<hbm>> -> memref<640xf32, #tpu.memory_space<hbm>>
      %dma_start3A_63 = tpu.memref_slice %arg5[%arg0, %mul3A_54] : memref<2x10240xf32, #tpu.memory_space<hbm>> -> memref<1x640xf32, #tpu.memory_space<hbm>>
      %dma_start3A_64 = tpu.memref_squeeze %dma_start3A_63 : memref<1x640xf32, #tpu.memory_space<hbm>> -> memref<640xf32, #tpu.memory_space<hbm>>
      tpu.enqueue_dma source(%arg11 : memref<640xf32, #tpu.memory_space<vmem>>) target(%dma_start3A_64 : memref<640xf32, #tpu.memory_space<hbm>>) target_semaphore(%run_scoped3A : memref<!tpu.dma_semaphore, #tpu.memory_space<semaphore_mem>>)
      %dma_wait3A_65 = tpu.memref_slice %arg5[%arg0, %mul3A_54] : memref<2x10240xf32, #tpu.memory_space<hbm>> -> memref<1x640xf32, #tpu.memory_space<hbm>>
      %dma_wait3A_66 = tpu.memref_squeeze %dma_wait3A_65 : memref<1x640xf32, #tpu.memory_space<hbm>> -> memref<640xf32, #tpu.memory_space<hbm>>
      %dma_wait3A_67 = tpu.memref_slice %arg5[%arg0, %mul3A_54] : memref<2x10240xf32, #tpu.memory_space<hbm>> -> memref<1x640xf32, #tpu.memory_space<hbm>>
      %dma_wait3A_68 = tpu.memref_squeeze %dma_wait3A_67 : memref<1x640xf32, #tpu.memory_space<hbm>> -> memref<640xf32, #tpu.memory_space<hbm>>
      tpu.wait_dma2 semaphore(%run_scoped3A : memref<!tpu.dma_semaphore, #tpu.memory_space<semaphore_mem>>) src(%arg11 : memref<640xf32, #tpu.memory_space<vmem>>) dst(%dma_wait3A_68 : memref<640xf32, #tpu.memory_space<hbm>>)
      tpu.yield
    }) : () -> ()
    return
  }
}

module attributes {stable_mosaic.version = 14 : i64} {
  func.func @_phase_a_body(%arg0: i32, %arg1: memref<1000x256xf32, #tpu.memory_space<vmem>>, %arg2: memref<1x256xf32, #tpu.memory_space<vmem>>, %arg3: memref<1x256xf32, #tpu.memory_space<vmem>>, %arg4: memref<1x1xf32, #tpu.memory_space<vmem>>, %arg5: memref<1000x1xf32, #tpu.memory_space<vmem>>, %arg6: memref<1000x1xf32, #tpu.memory_space<vmem>>) attributes {dimension_semantics = [#tpu.dimension_semantics<arbitrary>], iteration_bounds = array<i64: 10>, scalar_prefetch = 0 : i64, scratch_operands = 0 : i64, tpu.core_type = #tpu.core_type<tc>, window_params = [{transform_indices = @transform_0, window_bounds = array<i64: 1000, 256>}, {pipeline_mode = #tpu.pipeline_mode<synchronous>, transform_indices = @transform_1, window_bounds = array<i64: 1, 256>}, {pipeline_mode = #tpu.pipeline_mode<synchronous>, transform_indices = @transform_2, window_bounds = array<i64: 1, 256>}, {pipeline_mode = #tpu.pipeline_mode<synchronous>, transform_indices = @transform_3, window_bounds = array<i64: 1, 1>}, {transform_indices = @transform_4, window_bounds = array<i64: 1000, 1>}, {transform_indices = @transform_5, window_bounds = array<i64: 1000, 1>}]} {
    %get3A = arith.constant 0 : index
    %get3A_0 = arith.constant 0 : index
    %get3A_1 = vector.load %arg1[%get3A, %get3A_0] : memref<1000x256xf32, #tpu.memory_space<vmem>>, vector<1000x256xf32>
    %get3A_2 = arith.constant 0 : index
    %get3A_3 = arith.constant 0 : index
    %get3A_4 = vector.load %arg2[%get3A_2, %get3A_3] : memref<1x256xf32, #tpu.memory_space<vmem>>, vector<1x256xf32>
    %mul3A = vector.broadcast %get3A_4 : vector<1x256xf32> to vector<1000x256xf32>
    %mul3A_5 = arith.mulf %get3A_1, %mul3A : vector<1000x256xf32>
    %reduce_sum3A = arith.constant dense<0.000000e+00> : vector<1000xf32>
    %reduce_sum3A_6 = vector.multi_reduction <add>, %mul3A_5, %reduce_sum3A [1] : vector<1000x256xf32> to vector<1000xf32>
    %broadcast_in_dim3A = vector.shape_cast %reduce_sum3A_6 : vector<1000xf32> to vector<1000x1xf32>
    %swap3A = arith.constant 0 : index
    %swap3A_7 = arith.constant 0 : index
    %swap3A_8 = vector.load %arg5[%swap3A, %swap3A_7] : memref<1000x1xf32, #tpu.memory_space<vmem>>, vector<1000x1xf32>
    tpu.vector_store %arg5[%swap3A, %swap3A_7], %broadcast_in_dim3A {strides = array<i32>} : memref<1000x1xf32, #tpu.memory_space<vmem>>, vector<1000x1xf32>,
    %get3A_9 = arith.constant 0 : index
    %get3A_10 = arith.constant 0 : index
    %get3A_11 = vector.load %arg3[%get3A_9, %get3A_10] : memref<1x256xf32, #tpu.memory_space<vmem>>, vector<1x256xf32>
    %mul3A_12 = vector.broadcast %get3A_11 : vector<1x256xf32> to vector<1000x256xf32>
    %mul3A_13 = arith.mulf %get3A_1, %mul3A_12 : vector<1000x256xf32>
    %reduce_sum3A_14 = arith.constant dense<0.000000e+00> : vector<1000xf32>
    %reduce_sum3A_15 = vector.multi_reduction <add>, %mul3A_13, %reduce_sum3A_14 [1] : vector<1000x256xf32> to vector<1000xf32>
    %broadcast_in_dim3A_16 = vector.shape_cast %reduce_sum3A_15 : vector<1000xf32> to vector<1000x1xf32>
    %get3A_17 = arith.constant 0 : index
    %get3A_18 = arith.constant 0 : index
    %get3A_19 = vector.load %arg4[%get3A_17, %get3A_18] : memref<1x1xf32, #tpu.memory_space<vmem>>, vector<1x1xf32>
    %get3A_20 = vector.extract %get3A_19[0, 0] : f32 from vector<1x1xf32>
    %add3A = vector.broadcast %get3A_20 : f32 to vector<1000x1xf32>
    %add3A_21 = arith.addf %broadcast_in_dim3A_16, %add3A : vector<1000x1xf32>
    %swap3A_22 = arith.constant 0 : index
    %swap3A_23 = arith.constant 0 : index
    %swap3A_24 = vector.load %arg6[%swap3A_22, %swap3A_23] : memref<1000x1xf32, #tpu.memory_space<vmem>>, vector<1000x1xf32>
    tpu.vector_store %arg6[%swap3A_22, %swap3A_23], %add3A_21 {strides = array<i32>} : memref<1000x1xf32, #tpu.memory_space<vmem>>, vector<1000x1xf32>,
    return
  }
  func.func @transform_0(%arg0: i32) -> (i32, i32) {
    %c0_i32 = arith.constant 0 : i32
    %c0_i32_0 = arith.constant 0 : i32
    return %arg0, %c0_i32 : i32, i32
  }
  func.func @transform_1(%arg0: i32) -> (i32, i32) {
    %c0_i32 = arith.constant 0 : i32
    %c0_i32_0 = arith.constant 0 : i32
    %c0_i32_1 = arith.constant 0 : i32
    return %c0_i32, %c0_i32_0 : i32, i32
  }
  func.func @transform_2(%arg0: i32) -> (i32, i32) {
    %c0_i32 = arith.constant 0 : i32
    %c0_i32_0 = arith.constant 0 : i32
    %c0_i32_1 = arith.constant 0 : i32
    return %c0_i32, %c0_i32_0 : i32, i32
  }
  func.func @transform_3(%arg0: i32) -> (i32, i32) {
    %c0_i32 = arith.constant 0 : i32
    %c0_i32_0 = arith.constant 0 : i32
    %c0_i32_1 = arith.constant 0 : i32
    return %c0_i32, %c0_i32_0 : i32, i32
  }
  func.func @transform_4(%arg0: i32) -> (i32, i32) {
    %c0_i32 = arith.constant 0 : i32
    %c0_i32_0 = arith.constant 0 : i32
    return %arg0, %c0_i32 : i32, i32
  }
  func.func @transform_5(%arg0: i32) -> (i32, i32) {
    %c0_i32 = arith.constant 0 : i32
    %c0_i32_0 = arith.constant 0 : i32
    return %arg0, %c0_i32 : i32, i32
  }
}

module attributes {stable_mosaic.version = 14 : i64} {
  func.func @_phase_c_body(%arg0: memref<20480x1xf32, #tpu.memory_space<vmem>>, %arg1: memref<10000x1xf32, #tpu.memory_space<vmem>>, %arg2: memref<10000x1xi32, #tpu.memory_space<vmem>>, %arg3: memref<10000x256xf32, #tpu.memory_space<any>>, %arg4: memref<64x256xf32, #tpu.memory_space<vmem>>, %arg5: memref<10000x256xf32, #tpu.memory_space<vmem>>, %arg6: memref<!tpu.dma_semaphore, #tpu.memory_space<semaphore_mem>>) attributes {dimension_semantics = [], scalar_prefetch = 0 : i64, scratch_operands = 2 : i64, tpu.core_type = #tpu.core_type<tc>} {
    tpu.enqueue_dma source(%arg3 : memref<10000x256xf32, #tpu.memory_space<any>>) target(%arg5 : memref<10000x256xf32, #tpu.memory_space<vmem>>) target_semaphore(%arg6 : memref<!tpu.dma_semaphore, #tpu.memory_space<semaphore_mem>>)
    %get3A = arith.constant 0 : index
    %get3A_0 = arith.constant 0 : index
    %get3A_1 = vector.load %arg0[%get3A, %get3A_0] : memref<20480x1xf32, #tpu.memory_space<vmem>>, vector<10000x1xf32>
    %get3A_2 = arith.constant 10240 : index
    %get3A_3 = arith.constant 0 : index
    %get3A_4 = vector.load %arg0[%get3A_2, %get3A_3] : memref<20480x1xf32, #tpu.memory_space<vmem>>, vector<10000x1xf32>
    %add3A = arith.addf %get3A_1, %get3A_4 : vector<10000x1xf32>
    %get3A_5 = arith.constant 0 : index
    %get3A_6 = arith.constant 0 : index
    %get3A_7 = vector.load %arg1[%get3A_5, %get3A_6] : memref<10000x1xf32, #tpu.memory_space<vmem>>, vector<10000x1xf32>
    %add3A_8 = arith.addf %add3A, %get3A_7 : vector<10000x1xf32>
    %get3A_9 = arith.constant 0 : index
    %get3A_10 = arith.constant 0 : index
    %get3A_11 = vector.load %arg2[%get3A_9, %get3A_10] : memref<10000x1xi32, #tpu.memory_space<vmem>>, vector<10000x1xi32>
    %iota3A = tpu.iota {dimensions = array<i32: 1>} : vector<10000x128xi32>
    %eq3A = vector.broadcast %get3A_11 : vector<10000x1xi32> to vector<10000x128xi32>
    %eq3A_12 = arith.cmpi eq, %eq3A, %iota3A : vector<10000x128xi32>
    %jit3A = arith.constant -1.000000e+30 : f32
    %broadcast_in_dim3A = vector.shape_cast %add3A_8 : vector<10000x1xf32> to vector<10000x1xf32>
    %broadcast_in_dim3A_13 = vector.broadcast %broadcast_in_dim3A : vector<10000x1xf32> to vector<10000x128xf32>
    %broadcast_in_dim3A_14 = vector.broadcast %jit3A : f32 to vector<10000x128xf32>
    %select_n3A = arith.select %eq3A_12, %broadcast_in_dim3A_13, %broadcast_in_dim3A_14 : vector<10000x128xi1>, vector<10000x128xf32>
    %reduce_max3A = arith.constant dense<0xFF800000> : vector<128xf32>
    %reduce_max3A_15 = vector.multi_reduction <maximumf>, %select_n3A, %reduce_max3A [0] : vector<10000x128xf32> to vector<128xf32>
    %broadcast_in_dim3A_16 = vector.shape_cast %reduce_max3A_15 : vector<128xf32> to vector<1x128xf32>
    %sub3A = vector.broadcast %broadcast_in_dim3A_16 : vector<1x128xf32> to vector<10000x128xf32>
    %sub3A_17 = arith.subf %select_n3A, %sub3A : vector<10000x128xf32>
    %exp3A = math.exp %sub3A_17 : vector<10000x128xf32>
    %jit3A_18 = arith.constant 0.000000e+00 : f32
    %broadcast_in_dim3A_19 = vector.broadcast %jit3A_18 : f32 to vector<10000x128xf32>
    %select_n3A_20 = arith.select %eq3A_12, %exp3A, %broadcast_in_dim3A_19 : vector<10000x128xi1>, vector<10000x128xf32>
    %reduce_sum3A = arith.constant dense<0.000000e+00> : vector<128xf32>
    %reduce_sum3A_21 = vector.multi_reduction <add>, %select_n3A_20, %reduce_sum3A [0] : vector<10000x128xf32> to vector<128xf32>
    %broadcast_in_dim3A_22 = vector.shape_cast %reduce_sum3A_21 : vector<128xf32> to vector<1x128xf32>
    %add3A_23 = arith.constant 1.000000e-16 : f32
    %add3A_24 = vector.broadcast %add3A_23 : f32 to vector<1x128xf32>
    %add3A_25 = arith.addf %broadcast_in_dim3A_22, %add3A_24 : vector<1x128xf32>
    %div3A = vector.broadcast %add3A_25 : vector<1x128xf32> to vector<10000x128xf32>
    %div3A_26 = arith.divf %select_n3A_20, %div3A : vector<10000x128xf32>
    tpu.wait_dma2 semaphore(%arg6 : memref<!tpu.dma_semaphore, #tpu.memory_space<semaphore_mem>>) src(%arg3 : memref<10000x256xf32, #tpu.memory_space<any>>) dst(%arg5 : memref<10000x256xf32, #tpu.memory_space<vmem>>)
    %get3A_27 = arith.constant 0 : index
    %get3A_28 = arith.constant 0 : index
    %get3A_29 = vector.load %arg5[%get3A_27, %get3A_28] : memref<10000x256xf32, #tpu.memory_space<vmem>>, vector<10000x256xf32>
    %dot_general3A = arith.constant dense<0.000000e+00> : vector<128x256xf32>
    %dot_general3A_30 = tpu.matmul %div3A_26, %get3A_29, %dot_general3A {dimension_numbers = #tpu.dot_dimension_numbers<[0], [0], [1], [1], [0, 1, 1, 1], [], []>, transpose_lhs_hint = false} : vector<10000x128xf32>, vector<10000x256xf32>, vector<128x256xf32> -> vector<128x256xf32>
    %slice3A = vector.extract_strided_slice %dot_general3A_30 {offsets = [0, 0], sizes = [64, 256], strides = [1, 1]} : vector<128x256xf32> to vector<64x256xf32>
    %swap3A = arith.constant 0 : index
    %swap3A_31 = arith.constant 0 : index
    %swap3A_32 = vector.load %arg4[%swap3A, %swap3A_31] : memref<64x256xf32, #tpu.memory_space<vmem>>, vector<64x256xf32>
    tpu.vector_store %arg4[%swap3A, %swap3A_31], %slice3A {strides = array<i32>} : memref<64x256xf32, #tpu.memory_space<vmem>>, vector<64x256xf32>,
    return
  }
}

</mosaic_0001>

<sc_bundles>
// kernel: kernel.5.cloned.1.call-start
scs
__scs_entry_jumppad:
0x0: {  	(pc) =	sbr.rel $0x88, $3  }
0x1: {  	(tag) =	ssettag $0x0;
	lr =	simm.s32 $0x1  }
0x2: {  	[smem:$0x3F9B] =	sst lr;
	_ =	strace $0xD0000000  }
0x3: {  	_ = 	snop  }
0x4: {  	_ = 	snop  }
0x5: {  	_ = 	snop  }
0x6: {  	_ = 	snop  }
0x7: {  	_ = 	snop  }
__scs_overlays_trampoline_lowered:
0x8: {  	[smem:$0x3FAA] =	sst s0  }
0x9: {  	[smem:$0x3FAB] =	sst s1  }
0xa: {  	[smem:$0x3FAC] =	sst s2  }
0xb: {  	[smem:$0x3FAD] =	sst s3  }
0xc: {  	[smem:$0x3FAE] =	sst s4  }
0xd: {  	[smem:$0x3FAF] =	sst s5  }
0xe: {  	[smem:$0x3FB0] =	sst s6  }
0xf: {  	[smem:$0x3FB1] =	sst s7  }
0x10: {  	[smem:$0x3FB2] =	sst s8  }
0x11: {  	[smem:$0x3FB3] =	sst s9;
	s0 =	simm.s32 @!p0 $0x0  }
0x12: {  	s1 =	sld [smem:$0x3F99];
	s0 =	simm.s32 @p0 $0x1  }
0x13: {  	[smem:$0x3FB4] =	sst s0;
	s0 =	simm.s32 @!p1 $0x0  }
0x14: {  	s2 =	sld [smem:$0x3F98];
	s0 =	simm.s32 @p1 $0x1  }
0x15: {  	[smem:$0x3FB5] =	sst s0;
	s0 =	simm.s32 @!p2 $0x0  }
0x16: {  	s3 =	sld [smem:$0x3FDB];
	s0 =	simm.s32 @p2 $0x1  }
0x17: {  	s4 =	simm.s32 $0x1BF5;
	[smem:$0x3FB7] =	sst s0  }
0x18: {  	s0 =	sld [smem:$0x3F9A];
	_ =	swait.ge [sflag:s4], $0x0  }
0x19: {  	s7 =	sld [smem:$0x3F9B]  }
0x1a: {  	s8 =	sadd.s32 $0xFFFFE003, lr  }
0x1b: {  	s9 =	sadd.s32 $0xFFFFFEF7, lr;
	s5 =	simm.s32 $0xFFFFFFFF;
	p2 =	slt.u32 s8, $0xFFFFF086  }
0x1c: {  	p1 =	slt.u32 s9, $0xF7A;
	s5 =	simm.s32 @!p2 $0x0  }
0x1d: {  	s5 =	simm.s32 @p1 $0x1;
	p0 =	seq.s32 s7, s2  }
0x1e: {  	s7 =	smul.u32 @!p0 $0xF7A, s2;
	p2 =	seq.s32 @!p0 s5, $0x0  }
0x1f: {  	s9 =	smul.u32 $0xF7A, s1;
	s8 =	simm.s32 @!p0 $0x1BF5;
	p2 =	por !p2, p0  }
0x20: {  	[sflag:s8] =	ssyncset.s32 @!p0 $0xFFFFF086;
	s6 =	sadd.s32 @!p0 s3, s7;
	s7 =	simm.s32 @!p0 $0x108  }
0x21: {  	s3 =	sadd.s32 s3, s9;
	s6 =	sadd.s32 @!p0 $0x88, s6;
	s7 =	simm.s32 @p2 $0x1082  }
0x22: {  	[simem:s7], [sflag:s8] =	dma.local @!p0 [hbm:s6], $0xF7A  }
0x23: {  	s9 =	sor.u32 $0xD0000000, s2;
	s6 =	simm.s32 $0x108;
	_ =	swait.ge @!p0 [sflag:s8], $0x0  }
0x24: {  	s3 =	sadd.s32 $0x88, s3;
	s6 =	simm.s32 @!p1 $0x1082;
	[sflag:s4] =	ssyncset.s32 $0xFFFFF086  }
0x25: {  	[simem:s6], [sflag:s4] =	dma.local [hbm:s3], $0xF7A  }
0x26: {  	[smem:$0x3F9B] =	sst s1;
	(tag) =	ssettag s2;
	_ =	strace s9  }
0x27: {  	s1 =	sld [smem:$0x3FAB]  }
0x28: {  	s2 =	sld [smem:$0x3FAC]  }
0x29: {  	s4 =	sld [smem:$0x3FAE]  }
0x2a: {  	p0 =	seq.s32 s5, $0x0;
	s5 =	sld [smem:$0x3FAF]  }
0x2b: {  	s6 =	sld [smem:$0x3FB0]  }
0x2c: {  	s7 =	sld [smem:$0x3FB1]  }
0x2d: {  	s3 =	simm.s32 $0x108;
	s8 =	sld [smem:$0x3FB2]  }
0x2e: {  	s3 =	simm.s32 @!p0 $0x1082;
	s9 =	sld [smem:$0x3FB3]  }
0x2f: {  	lr =	sadd.s32 s0, s3;
	s0 =	sld [smem:$0x3FAA]  }
0x30: {  	s3 =	sld [smem:$0x3FAD]  }
0x31: {  	[smem:$0x3FB6] =	sst s10  }
0x32: {  	s10 =	sld [smem:$0x3FB4];
	_ =	sdelay $0x3  }
0x33: {  	p0 =	seq.s32 s10, $0x1;
	s10 =	sld [smem:$0x3FB6];
	_ =	sdelay $0x3  }
0x34: {  	[smem:$0x3FB6] =	sst s10  }
0x35: {  	s10 =	sld [smem:$0x3FB5];
	_ =	sdelay $0x3  }
0x36: {  	p1 =	seq.s32 s10, $0x1;
	s10 =	sld [smem:$0x3FB6];
	_ =	sdelay $0x3  }
0x37: {  	[smem:$0x3FB6] =	sst s10  }
0x38: {  	s10 =	sld [smem:$0x3FB7]  }
0x39: {  	_ = 	snop;
	(pc) =	sbr.ind lr, $3  }
0x3a: {  	_ = 	snop  }
0x3b: {  	_ = 	snop  }
0x3c: {  	p2 =	seq.s32 s10, $0x1;
	s10 =	sld [smem:$0x3FB6]  }
0x3d: {  	_ =	shalt  }
0x3e: {  	_ =	shalt  }
0x3f: {  	_ =	shalt  }
0x40: {  	_ =	shalt  }
0x41: {  	_ =	shalt  }
0x42: {  	_ =	shalt  }
0x43: {  	_ =	shalt  }
0x44: {  	_ =	shalt  }
0x45: {  	_ =	shalt  }
0x46: {  	_ =	shalt  }
0x47: {  	_ =	shalt  }
0x48: {  	_ =	shalt  }
0x49: {  	_ =	shalt  }
0x4a: {  	_ =	shalt  }
0x4b: {  	_ =	shalt  }
0x4c: {  	_ =	shalt  }
0x4d: {  	_ =	shalt  }
0x4e: {  	_ =	shalt  }
0x4f: {  	_ =	shalt  }
0x50: {  	_ =	shalt  }
0x51: {  	_ =	shalt  }
0x52: {  	_ =	shalt  }
0x53: {  	_ =	shalt  }
0x54: {  	_ =	shalt  }
0x55: {  	_ =	shalt  }
0x56: {  	_ =	shalt  }
0x57: {  	_ =	shalt  }
0x58: {  	_ =	shalt  }
0x59: {  	_ =	shalt  }
0x5a: {  	_ =	shalt  }
0x5b: {  	_ =	shalt  }
0x5c: {  	_ =	shalt  }
0x5d: {  	_ =	shalt  }
0x5e: {  	_ =	shalt  }
0x5f: {  	_ =	shalt  }
0x60: {  	_ =	shalt  }
0x61: {  	_ =	shalt  }
0x62: {  	_ =	shalt  }
0x63: {  	_ =	shalt  }
0x64: {  	_ =	shalt  }
0x65: {  	_ =	shalt  }
0x66: {  	_ =	shalt  }
0x67: {  	_ =	shalt  }
0x68: {  	_ =	shalt  }
0x69: {  	_ =	shalt  }
0x6a: {  	_ =	shalt  }
0x6b: {  	_ =	shalt  }
0x6c: {  	_ =	shalt  }
0x6d: {  	_ =	shalt  }
0x6e: {  	_ =	shalt  }
0x6f: {  	_ =	shalt  }
0x70: {  	_ =	shalt  }
0x71: {  	_ =	shalt  }
0x72: {  	_ =	shalt  }
0x73: {  	_ =	shalt  }
0x74: {  	_ =	shalt  }
0x75: {  	_ =	shalt  }
0x76: {  	_ =	shalt  }
0x77: {  	_ =	shalt  }
0x78: {  	_ =	shalt  }
0x79: {  	_ =	shalt  }
0x7a: {  	_ =	shalt  }
0x7b: {  	_ =	shalt  }
0x7c: {  	_ =	shalt  }
0x7d: {  	_ =	shalt  }
0x7e: {  	_ =	shalt  }
0x7f: {  	_ =	shalt  }
0x80: {  	_ =	shalt  }
0x81: {  	_ =	shalt  }
0x82: {  	_ =	shalt  }
0x83: {  	_ =	shalt  }
0x84: {  	_ =	shalt  }
0x85: {  	_ =	shalt  }
0x86: {  	_ =	shalt  }
0x87: {  	_ =	shalt  }
.Lfunc_end0:
.L_simem_size_0:
called_computation_lowered:
.L_overlay_start_0:
0x88: {  	s2 =	sld [smem:$0x3FD9]  }
0x89: {  	s3 =	sld [smem:$0x3FFE];
	_ =	sdelay $0x1  }
0x8a: {  	s1 =	srdreg.scid  }
0x8b: {  	s0 =	sand.u32 $0x1, s1  }
0x8c: {  	s17 =	sshll.u32 s0, $0xA;
	s2 =	sadd.s32 s3, s2  }
0x8d: {  	s2 =	sadd.s32 s2, s17  }
0x8e: {  	[smem:$0x3FC2] =	sst s2  }
0x8f: {  	_ = 	snop  }
0x90: {  	s2 =	sld [smem:$0x3FD0];
	(tm) =	ssettm $0x1  }
0x91: {  	s18 =	sld [smem:$0x3FFB];
	_ =	sdelay $0x3  }
0x92: {  	_ =	strace s18  }
0x93: {  	s3 =	sld [smem:$0x3FFC];
	_ =	sdelay $0x3  }
0x94: {  	_ =	strace s3  }
0x95: {  	s3 =	sld [smem:$0x3FFD];
	_ =	sdelay $0x3  }
0x96: {  	_ =	strace s3  }
0x97: {  	_ =	strace $0x8FFFFFFF  }
0x98: {  	s19 =	sld [smem:$0x3FDB];
	_ =	sdelay $0x1  }
0x99: {  	s4 =	simm.s32 $_scs_section_size  }
0x9a: {  	s5 =	simm.s32 $_size__tile_overlayer_lowered;
	s6 =	simm.s32 $_tile_overlayer_lowered  }
0x9b: {  	s22 =	simm.s32 $0x1BFF;
	s21 =	sshll.u32 s6, $0x1;
	s3 =	sadd.s32 s4, s19  }
0x9c: {  	s7 =	simm.s32 $0x0;
	s20 =	sshll.u32 s5, $0x1;
	s5 =	sadd.s32 s21, s3  }
0x9d: {  	[timem:s7], [sflag:s22] =	dma.local [hbm:s5], s20  }
0x9e: {  	_ =	swait.ge [sflag:s22], s20  }
0x9f: {  	s4 =	ssub.s32 $0x0, s20;
	[sflag:s22] =	ssyncset.done $0x0  }
0xa0: {  	[sflag:s22] =	ssyncadd.s32 s4;
	_ =	sdelay $0x1  }
0xa1: {  	s23 =	simm.s32 $0x1B8B  }
0xa2: {  	_ =	swait.ge [sflag:s23], $0x1  }
0xa3: {  	[sflag:s23] =	ssyncset.done $0x0  }
0xa4: {  	s25 =	simm.s32 $0x1B8E;
	s24 =	sld [smem:$0x3FFE];
	[sflag:s23] =	ssyncadd.s32 $0xFFFFFFFF  }
0xa5: {  	s26 =	simm.s32 $execute0_lowered;
	[smem:$0x3FD2] =	sst s25  }
0xa6: {  	s5 =	sshll.u32 s26, $0x1;
	_ =	strace $0x80000046;
	[dreg:$0x1] =	wrdreg $0xFFFFFFFF  }
0xa7: {  	s28 =	simm.s32 $_size_execute0_lowered;
	s3 =	sadd.s32 s3, s5;
	[dreg:$0x0] =	wrdreg $0x0  }
0xa8: {  	s5 =	sshll.u32 s28, $0x1;
	[dreg:$0x2] =	wrdreg s3  }
0xa9: {  	[dreg:$0x3] =	wrdreg s5  }
0xaa: {  	[dreg:$0x4] =	wrdreg $0xC0  }
0xab: {  	_ =	task [dreg:s7], $0x5FFFF  }
0xac: {  	[dreg:$0x1] =	wrdreg $0xFFFFFFFF  }
0xad: {  	[dreg:$0x0] =	wrdreg $0x60  }
0xae: {  	[dreg:$0x2] =	wrdreg s2  }
0xaf: {  	[dreg:$0x3] =	wrdreg s24  }
0xb0: {  	[dreg:$0x4] =	wrdreg $0xA2000  }
0xb1: {  	[dreg:$0x5] =	wrdreg $0x9  }
0xb2: {  	_ =	task.clear_ibuf [dreg:s7], $0x6FFFF;
	_ =	strace $0x90000046  }
0xb3: {  	s29 =	simm.s32 $0x9;
	_ =	strace $0x80000048  }
0xb4: {  	_ =	swait.ge [sflag:s29], $0x1  }
0xb5: {  	[sflag:s29] =	ssyncadd.s32 $0xFFFFFFFF  }
0xb6: {  	_ =	strace $0x90000048  }
0xb7: {  	_ =	sfence  }
0xb8: {  	s30 =	sld [smem:$0x0];
	_ =	sdelay $0x2  }
0xb9: {  	s31 =	sshll.u32 s1, $0xD;
	s1 =	sshrl.u32 s1, $0x2  }
0xba: {  	s3 =	sand.u32 $0x4000, s31;
	s1 =	sadd.s32 s1, s30  }
0xbb: {  	s0 =	sor.u32 s3, s0;
	s1 =	sshll.u32 s1, $0x11  }
0xbc: {  	s0 =	sor.u32 s1, s0  }
0xbd: {  	s0 =	sadd.s32 $0x8F2B, s0  }
0xbe: {  	[sflag:s0] =	ssyncadd.remote.s32 $0x1  }
0xbf: {  	_ =	sfence.sel $0xFFFF  }
0xc0: {  	[dreg:$0x0] =	wrdreg $0xFFFFFFFF;
	(pc) =	sbr.abs _section_cstart, $3  }
0xc1: {  	[dreg:$0x1] =	wrdreg $0xFFFFFFFF  }
0xc2: {  	_ =	task.clear_ibuf [dreg:s7], $0x2FFFF;
	_ =	strace $0x9FFFFFFF  }
0xc3: {  	(tm) =	ssettm $0x7FFFFFFF  }
tec
execute0_lowered:
.L_overlay_start_1:
0x0: {  	(tag) =	ssettag $0x1  }
0x1: {  	s1 =	rddreg [dreg:$0x0]  }
0x2: {  	s4 =	rddreg [dreg:$0x1];
	s2 =	srdreg.scid  }
0x3: {  	s0 =	stileid.u32;
	s7 =	rddreg [dreg:$0x2]  }
0x4: {  	s3 =	simm.s32 $0x0;
	s12 =	simm.s32 $0x1;
	s13 =	simm.s32 $0x4F80  }
0x5: {  	s14 =	simm.s32 $0x80;
	s15 =	simm.s32 $0x400;
	s16 =	simm.s32 $0x2  }
0x6: {  	s17 =	simm.s32 $0x14000;
	s18 =	simm.s32 $0x7780;
	s19 =	simm.s32 $0x100  }
0x7: {  	s20 =	simm.s32 $0x9F80;
	s5 =	sand.u32 $0x1, s2;
	s2 =	rddreg [dreg:$0x3]  }
0x8: {  	s21 =	simm.s32 $0x0;
	s6 =	smul.u32 $0x500, s0;
	[smem:$0x7FF] =	sst s3  }
0x9: {  	s9 =	sshll.u32 s0, $0x1;
	s10 =	sshrl.u32 s0, $0x3;
	s28 =	sshll.u32 s0, $0x7  }
0xa: {  	s30 =	smul.u32 $0x5000, s0;
	s8 =	sshll.u32 s5, $0x7;
	_ =	strace $0x80000047  }
0xb: {  	s24 =	ssub.s32 $0x2, s5;
	s5 =	sor.u32 s5, s9;
	s25 =	smul.u32 $0x50000, s10  }
0xc: {  	s10 =	simm.s32 $0x1400;
	s6 =	sor.u32 s8, s6;
	s11 =	sshrl.u32 s24, $0x1  }
0xd: {  	s5 =	smul.u32 $0x271, s5;
	s31 =	sshrl.u32 s30, $0x2;
	s6 =	sshrl.u32 s6, $0x3  }
0xe: {  	s11 =	ssub.s32 s24, s11;
	s29 =	sshrl.u32 s25, $0x2;
	s26 =	sadd.s32 s6, s4  }
0xf: {  	s4 =	sadd.s32 s4, s5;
	s6 =	sand.u32 $0x380, s28;
	s8 =	sadd.s32 s29, s7  }
0x10: {  	s7 =	sadd.s32 s31, s7;
	s9 =	smax.u32 s11, $0x1;
	s11 =	simm.s32 $0x2800  }
0x11: {  	v0 =	vimm.f32 $0.0e+00;
	vm0 =	vmmov $0xff;
	s5 =	sadd.s32 $0x5000, s4;
	s6 =	sadd.s32 s6, s8;
	s8 =	sadd.s32 $0xA000, s26  }
.LBB2_1:
0x12: {  	[tilespmem:s3], [sflag:$0x1] =	stream.linear.gather [hbm4b:s5+s3], $0x1388, $0x38;
	[tilespmem:$0xCA00] =	vst v63  }
0x13: {  	_ = 	snop  }
0x14: {  	[tilespmem:s10], [sflag:$0x1] =	stream.linear.gather [hbm4b:s4+s3], $0x1388, $0x38;
	[tilespmem:$0xCA00] =	vst v63  }
0x15: {  	s22 =	simm.s32 $0x0;
	s23 =	simm.s32 $0x200  }
0x16: {  	[tilespmem:s11], [sflag:$0x1] =	stream.linear.gather [hbm4b:s1+s3], $0x2780, $0x38;
	[tilespmem:$0xCA00] =	vst v63  }
.LBB2_2:
0x17: {  	p0 =	sne.s32 s23, $0x9E00;
	[tilespmem:s22+$0x4FF0] =	vst v0  }
0x18: {  	[tilespmem:s22+$0x4F80] =	vst v0  }
0x19: {  	[tilespmem:s22+$0x4F90] =	vst v0  }
.Ltmp0:
0x1a: {  	[tilespmem:s22+$0x4FA0] =	vst v0;
	(pc) =	sbr.rel @p0 .LBB2_2-.Ltmp0, $4  }
0x1b: {  	[tilespmem:s22+$0x4FB0] =	vst v0  }
0x1c: {  	[tilespmem:s22+$0x4FC0] =	vst v0  }
0x1d: {  	[tilespmem:s22+$0x4FD0] =	vst v0  }
0x1e: {  	[tilespmem:s22+$0x4FE0] =	vst v0;
	s22 =	sshra.s32 s23, $0x2;
	s23 =	sadd.s32 $0x200, s23  }
0x1f: {  	[tilespmem:s22+$0x4FF0] =	vst v0  }
0x20: {  	[tilespmem:s22+$0x4F80] =	vst v0  }
0x21: {  	[tilespmem:s22+$0x4F90] =	vst v0  }
0x22: {  	[tilespmem:s22+$0x4FA0] =	vst v0  }
0x23: {  	[tilespmem:s22+$0x4FB0] =	vst v0  }
0x24: {  	[tilespmem:s22+$0x4FC0] =	vst v0  }
0x25: {  	[tilespmem:s22+$0x4FD0] =	vst v0  }
0x26: {  	[tilespmem:s22+$0x4FE0] =	vst v0  }
0x27: {  	_ =	swait.ge [sflag:s12], $0x1388  }
0x28: {  	[sflag:s12] =	ssyncset.done $0x0  }
0x29: {  	[sflag:s12] =	ssyncadd.s32 $0xFFFFEC78  }
0x2a: {  	_ =	swait.ge [sflag:s12], $0x1388  }
0x2b: {  	[sflag:s12] =	ssyncset.done $0x0  }
0x2c: {  	[sflag:s12] =	ssyncadd.s32 $0xFFFFEC78  }
0x2d: {  	_ =	swait.ge [sflag:s12], $0x2780  }
0x2e: {  	[sflag:s12] =	ssyncset.done $0x0  }
0x2f: {  	[sflag:s12] =	ssyncadd.s32 $0xFFFFD880  }
0x30: {  	v1 =	vld [tilespmem:$0x1380]  }
0x31: {  	v2 =	vld [tilespmem:$0x2780];
	_ =	sdelay $0x3  }
0x32: {  	v1 =	vnsel vm0, $0x0, v1  }
0x33: {  	[tilespmem:$0x1380] =	vst v1;
	v1 =	vnsel vm0, $0x27FF, v2  }
0x34: {  	s22 =	simm.s32 $0x0;
	[tilespmem:$0x2780] =	vst v1  }
.LBB2_4:
0x35: {  	s23 =	sshra.s32 s22, $0x2  }
0x36: {  	v1 =	vld [tilespmem:s23+$0x0];
	_ =	sdelay $0x4  }
0x37: {  	v2 =	vld [tilespmem:s23+$0x1400];
	_ =	sdelay $0x2  }
0x38: {  	v1 =	vld.idx.msk [tilespmem:v1+s11+$0x0], $0xffff;
	_ =	sdelay $0x4  }
0x39: {  	[tilespmem:v2+s13+$0x0] =	vst.idx.add.f32.msk $0xffff, v1  }
0x3a: {  	v1 =	vld [tilespmem:s23+$0x10];
	_ =	sdelay $0x4  }
0x3b: {  	v2 =	vld [tilespmem:s23+$0x1410];
	_ =	sdelay $0x2  }
0x3c: {  	v1 =	vld.idx.msk [tilespmem:v1+s11+$0x0], $0xffff;
	_ =	sdelay $0x4  }
0x3d: {  	[tilespmem:v2+s13+$0x0] =	vst.idx.add.f32.msk $0xffff, v1  }
0x3e: {  	v1 =	vld [tilespmem:s23+$0x20];
	_ =	sdelay $0x4  }
0x3f: {  	v2 =	vld [tilespmem:s23+$0x1420];
	_ =	sdelay $0x2  }
0x40: {  	v1 =	vld.idx.msk [tilespmem:v1+s11+$0x0], $0xffff;
	_ =	sdelay $0x4  }
0x41: {  	[tilespmem:v2+s13+$0x0] =	vst.idx.add.f32.msk $0xffff, v1  }
0x42: {  	v1 =	vld [tilespmem:s23+$0x30];
	_ =	sdelay $0x4  }
0x43: {  	v2 =	vld [tilespmem:s23+$0x1430];
	_ =	sdelay $0x2  }
0x44: {  	p0 =	sne.s32 s22, $0x4D00;
	v1 =	vld.idx.msk [tilespmem:v1+s11+$0x0], $0xffff  }
.Ltmp1:
0x45: {  	_ = 	snop;
	(pc) =	sbr.rel @p0 .LBB2_4-.Ltmp1, $2  }
0x46: {  	_ =	sdelay $0x2  }
0x47: {  	s22 =	sadd.s32 $0x100, s22;
	[tilespmem:v2+s13+$0x0] =	vst.idx.add.f32.msk $0xffff, v1  }
0x48: {  	v1 =	vld [tilespmem:$0x1380];
	_ =	sdelay $0x4  }
0x49: {  	v2 =	vld [tilespmem:$0x2780];
	_ =	sdelay $0x2  }
0x4a: {  	v1 =	vld.idx.msk [tilespmem:v1+s11+$0x0], $0xffff;
	_ =	sdelay $0x4  }
0x4b: {  	[tilespmem:v2+s13+$0x0] =	vst.idx.add.f32.msk $0xffff, v1  }
0x4c: {  	[spmem:s6] =	stream.strided.scatter [tilespmem:s13], [sflag:$0x2], $0x2800, s15, s14, $0x38;
	[tilespmem:$0xCA00] =	vst v63  }
0x4d: {  	_ =	swait.ge [sflag:s16], $0x2800  }
0x4e: {  	[sflag:s16] =	ssyncset.done $0x0  }
0x4f: {  	[sflag:s16] =	ssyncadd.s32 $0xFFFFD800  }
0x50: {  	[bflag:$0x0] =	sbarrier.arrive $0xFFFF  }
0x51: {  	[tilespmem:s18], [sflag:$0x2] =	stream.strided.gather [spmem:s7], $0x2800, s17, s10, $0x38;
	[tilespmem:$0xCA00] =	vst v63  }
0x52: {  	s22 =	simm.s32 $0x0;
	_ =	swait.ge [sflag:s16], $0x2800  }
0x53: {  	s23 =	sand.u32 $0x70, s22;
	s22 =	sand.u32 $0x1C00, s22;
	[sflag:s16] =	ssyncset.done $0x0  }
0x54: {  	s22 =	sor.u32 s23, s22;
	[sflag:s16] =	ssyncadd.s32 $0xFFFFD800  }
0x55: {  	v1 =	vld [tilespmem:s22+$0x7800]  }
0x56: {  	v2 =	vld [tilespmem:s22+$0x7780];
	_ =	sdelay $0x1  }
0x57: {  	v3 =	vld [tilespmem:s22+$0x7880];
	_ =	sdelay $0x1  }
0x58: {  	v4 =	vld [tilespmem:s22+$0x7900]  }
0x59: {  	v1 =	vadd.f32 v1, v2  }
0x5a: {  	v2 =	vld [tilespmem:s22+$0x7980]  }
0x5b: {  	v1 =	vadd.f32 v3, v1  }
0x5c: {  	v3 =	vld [tilespmem:s22+$0x7A00]  }
0x5d: {  	v1 =	vadd.f32 v4, v1  }
0x5e: {  	v60 =	vld [tilespmem:s22+$0x7A80]  }
0x5f: {  	v1 =	vadd.f32 v2, v1  }
0x60: {  	v2 =	vld [tilespmem:s22+$0x7B00]  }
0x61: {  	v1 =	vadd.f32 v3, v1  }
0x62: {  	v3 =	vld [tilespmem:s22+$0x8B80]  }
0x63: {  	v1 =	vadd.f32 v60, v1  }
0x64: {  	v61 =	vld [tilespmem:s22+$0x8C00]  }
0x65: {  	v1 =	vadd.f32 v2, v1  }
0x66: {  	v2 =	vld [tilespmem:s22+$0x8C80]  }
0x67: {  	v1 =	vadd.f32 v3, v1  }
0x68: {  	v3 =	vld [tilespmem:s22+$0x8D00]  }
0x69: {  	v1 =	vadd.f32 v61, v1  }
0x6a: {  	v62 =	vld [tilespmem:s22+$0x8D80]  }
0x6b: {  	v1 =	vadd.f32 v2, v1  }
0x6c: {  	v2 =	vld [tilespmem:s22+$0x8E00]  }
0x6d: {  	v1 =	vadd.f32 v3, v1  }
0x6e: {  	v3 =	vld [tilespmem:s22+$0x8E80]  }
0x6f: {  	v1 =	vadd.f32 v62, v1  }
0x70: {  	v63 =	vld [tilespmem:s22+$0x8F00]  }
0x71: {  	v1 =	vadd.f32 v2, v1;
	_ =	sdelay $0x1  }
0x72: {  	v1 =	vadd.f32 v3, v1;
	_ =	sdelay $0x1  }
0x73: {  	s31 =	simm.s32 $0x10;
	s24 =	simm.s32 $0x80;
	v1 =	vadd.f32 v63, v1  }
0x74: {  	s25 =	sand.u32 $0x1C00, s24;
	s23 =	sand.u32 $0x70, s31;
	s22 =	simm.s32 $0x9F80  }
0x75: {  	s23 =	sor.u32 s23, s25;
	s25 =	simm.s32 $0x20;
	[tilespmem:s22+$0x0] =	vst v1  }
.LBB2_6:
0x76: {  	p0 =	sne.s32 s25, $0x270;
	v1 =	vld [tilespmem:s23+$0x7800]  }
0x77: {  	v2 =	vld [tilespmem:s23+$0x7780];
	_ =	sdelay $0x1  }
0x78: {  	v3 =	vld [tilespmem:s23+$0x7880];
	_ =	sdelay $0x1  }
0x79: {  	v4 =	vld [tilespmem:s23+$0x7900]  }
0x7a: {  	v1 =	vadd.f32 v1, v2  }
0x7b: {  	v2 =	vld [tilespmem:s23+$0x7980]  }
0x7c: {  	v1 =	vadd.f32 v3, v1  }
0x7d: {  	v3 =	vld [tilespmem:s23+$0x7A00]  }
0x7e: {  	v1 =	vadd.f32 v4, v1  }
0x7f: {  	v4 =	vld [tilespmem:s23+$0x7A80]  }
0x80: {  	v1 =	vadd.f32 v2, v1  }
0x81: {  	v2 =	vld [tilespmem:s23+$0x7B00]  }
0x82: {  	v1 =	vadd.f32 v3, v1  }
0x83: {  	v3 =	vld [tilespmem:s23+$0x8B80]  }
0x84: {  	v1 =	vadd.f32 v4, v1  }
0x85: {  	v4 =	vld [tilespmem:s23+$0x8C00]  }
0x86: {  	v1 =	vadd.f32 v2, v1  }
0x87: {  	v2 =	vld [tilespmem:s23+$0x8C80]  }
0x88: {  	v1 =	vadd.f32 v3, v1  }
0x89: {  	v3 =	vld [tilespmem:s23+$0x8D00]  }
0x8a: {  	v1 =	vadd.f32 v4, v1  }
0x8b: {  	v4 =	vld [tilespmem:s23+$0x8D80]  }
0x8c: {  	v1 =	vadd.f32 v2, v1  }
0x8d: {  	v2 =	vld [tilespmem:s23+$0x8E00]  }
0x8e: {  	v1 =	vadd.f32 v3, v1  }
0x8f: {  	v3 =	vld [tilespmem:s23+$0x8E80]  }
0x90: {  	v1 =	vadd.f32 v4, v1  }
0x91: {  	v4 =	vld [tilespmem:s23+$0x8F00]  }
0x92: {  	v1 =	vadd.f32 v2, v1;
	_ =	sdelay $0x1  }
.Ltmp2:
0x93: {  	v1 =	vadd.f32 v3, v1;
	(pc) =	sbr.rel @p0 .LBB2_6-.Ltmp2, $4  }
0x94: {  	_ = 	snop  }
0x95: {  	s24 =	sadd.s32 $0x80, s24;
	v1 =	vadd.f32 v4, v1  }
0x96: {  	s22 =	sadd.s32 $0x10, s22;
	s26 =	sand.u32 $0x1C00, s24;
	s23 =	sand.u32 $0x70, s25  }
0x97: {  	s25 =	sadd.s32 $0x10, s25;
	s23 =	sor.u32 s23, s26;
	[tilespmem:s22+$0x0] =	vst v1  }
0x98: {  	v1 =	vld [tilespmem:s23+$0x7800]  }
0x99: {  	v2 =	vld [tilespmem:s23+$0x7780];
	_ =	sdelay $0x1  }
0x9a: {  	v3 =	vld [tilespmem:s23+$0x7880];
	_ =	sdelay $0x1  }
0x9b: {  	v4 =	vld [tilespmem:s23+$0x7900]  }
0x9c: {  	v1 =	vadd.f32 v1, v2  }
0x9d: {  	v2 =	vld [tilespmem:s23+$0x7980]  }
0x9e: {  	v1 =	vadd.f32 v3, v1  }
0x9f: {  	v3 =	vld [tilespmem:s23+$0x7A00]  }
0xa0: {  	v1 =	vadd.f32 v4, v1  }
0xa1: {  	v60 =	vld [tilespmem:s23+$0x7A80]  }
0xa2: {  	v1 =	vadd.f32 v2, v1  }
0xa3: {  	v2 =	vld [tilespmem:s23+$0x7B00]  }
0xa4: {  	v1 =	vadd.f32 v3, v1  }
0xa5: {  	v3 =	vld [tilespmem:s23+$0x8B80]  }
0xa6: {  	v1 =	vadd.f32 v60, v1  }
0xa7: {  	v61 =	vld [tilespmem:s23+$0x8C00]  }
0xa8: {  	v1 =	vadd.f32 v2, v1  }
0xa9: {  	v2 =	vld [tilespmem:s23+$0x8C80]  }
0xaa: {  	v1 =	vadd.f32 v3, v1  }
0xab: {  	v3 =	vld [tilespmem:s23+$0x8D00]  }
0xac: {  	v1 =	vadd.f32 v61, v1  }
0xad: {  	v62 =	vld [tilespmem:s23+$0x8D80]  }
0xae: {  	v1 =	vadd.f32 v2, v1  }
0xaf: {  	v2 =	vld [tilespmem:s23+$0x8E00]  }
0xb0: {  	v1 =	vadd.f32 v3, v1  }
0xb1: {  	v3 =	vld [tilespmem:s23+$0x8E80]  }
0xb2: {  	v1 =	vadd.f32 v62, v1  }
0xb3: {  	v63 =	vld [tilespmem:s23+$0x8F00]  }
0xb4: {  	v1 =	vadd.f32 v2, v1;
	_ =	sdelay $0x1  }
0xb5: {  	v1 =	vadd.f32 v3, v1;
	_ =	sdelay $0x1  }
0xb6: {  	s21 =	sadd.s32 $0x1, s21;
	v1 =	vadd.f32 v63, v1  }
0xb7: {  	s22 =	sadd.s32 $0x10, s22;
	p0 =	sne.s32 s21, s9  }
.Ltmp3:
0xb8: {  	[tilespmem:s22+$0x0] =	vst v1;
	(pc) =	sbr.rel @p0 .LBB2_1-.Ltmp3, $4  }
0xb9: {  	[hbm4b:s8+s14] =	stream.strided.scatter [tilespmem:s20], [sflag:$0x2], $0x280, s19, s14, $0x38;
	[tilespmem:$0xCA00] =	vst v63  }
0xba: {  	_ =	swait.ge [sflag:s16], $0x280  }
0xbb: {  	[sflag:s16] =	ssyncset.done $0x0  }
0xbc: {  	[sflag:s16] =	ssyncadd.s32 $0xFFFFFD80  }
0xbd: {  	_ =	sfence.sel $0x180000  }
0xbe: {  	[bflag:$0x0] =	sbarrier.arrive $0xFFFF  }
0xbf: {  	p0 =	sne.s32 s0, $0x0;
	_ =	strace $0x90000047  }
0xc0: {  	s0 =	sadd.s32 @!p0 $0x100000, s2;
	[bflag:$0x2] =	sbarrier.arrive $0xFFFF  }
0xc1: {  	[sflag:s0] =	ssyncadd.tile.s32 @!p0 $0x1;
	_ =	shalt  }
.Lfunc_end2:
_tile_overlayer_lowered:
.L_overlay_start_2:
0xc2: {  	(tag) =	ssettag $0x2  }
0xc3: {  	s0 =	rddreg [dreg:$0x0];
	s2 =	stileid.u32  }
0xc4: {  	s1 =	rddreg [dreg:$0x1];
	p0 =	sne.s32 s2, $0x0  }
0xc5: {  	s3 =	rddreg [dreg:$0x2];
	[bflag:$0x3] =	sbarrier.arrive $0xFFFF;
	s2 =	simm.s32 @!p0 $0x1C02  }
0xc6: {  	[timem:s3], [sflag:s2] =	dma.local @!p0 [hbm:s0], s1  }
0xc7: {  	s0 =	simm.s32 @!p0 $0x2  }
0xc8: {  	_ =	swait.ge @!p0 [sflag:s0], s1  }
0xc9: {  	s1 =	ssub.s32 @!p0 $0x0, s1;
	[sflag:s0] =	ssyncset.done @!p0 $0x0  }
0xca: {  	[sflag:s0] =	ssyncadd.s32 @!p0 s1  }
0xcb: {  	[bflag:$0x3] =	sbarrier.arrive $0xFFFF  }
0xcc: {  	_ =	shalt  }

</sc_bundles>
